<compile_context>
chip_gen: v7x
topology: tpu7x:2x2x1
jax: 0.10.2.dev20260603
libtpu: 0.0.44.dev20260713+nightly
codegen_flags: <defaults>
</compile_context>

<pallas_src>
import functools

import jax
import jax.numpy as jnp
from jax import lax
from jax.experimental import pallas as pl
from jax.experimental.pallas import tpu as pltpu
from jax.experimental.pallas import tpu_sc as plsc

_NC, _NS, _L = 2, 16, 16
_NW = _NC * _NS

def _sc_mesh():
    return plsc.VectorSubcoreMesh(
        core_axis_name="c", subcore_axis_name="s",
        num_cores=_NC, num_subcores=_NS)


@functools.lru_cache(maxsize=None)
def _make_deg(ncnt, e):
    ew = e // _NW

    @functools.partial(
        pl.kernel,
        out_type=jax.ShapeDtypeStruct((_NW, 1, ncnt), jnp.float32),
        mesh=_sc_mesh(),
        scratch_types=[
            pltpu.VMEM((ew,), jnp.int32),
            pltpu.VMEM((ncnt,), jnp.float32),
        ],
        compiler_params=pltpu.CompilerParams(needs_layout_passes=False),
    )
    def deg_k(dst_hbm, out_hbm, idx_v, counts_v):
        c = lax.axis_index("c")
        s = lax.axis_index("s")
        wid = s * _NC + c
        zeros = jnp.zeros((_L,), jnp.float32)

        def zero_body(i, carry):
            counts_v[pl.ds(i * _L, _L)] = zeros
            return carry

        lax.fori_loop(0, ncnt // _L, zero_body, 0)
        pltpu.sync_copy(dst_hbm.at[pl.ds(wid * ew, ew)], idx_v)
        ones = jnp.full((_L,), 1.0, jnp.float32)

        def count_body(i, carry):
            iv = idx_v[pl.ds(i * _L, _L)]
            plsc.addupdate_scatter(counts_v, [iv], ones)
            return carry

        lax.fori_loop(0, ew // _L, count_body, 0)
        pltpu.sync_copy(counts_v, out_hbm.at[wid, 0])

    return deg_k


@functools.lru_cache(maxsize=None)
def _pad_rows(n):
    return -(-n // (_NS * 8)) * 8


_K = 100
_NBUF = 3
_GD = _NBUF - 1
_ID = 2 * _GD
_NIB = _ID + 2


@functools.lru_cache(maxsize=None)
def _make_agg(n, d, nch):
    nps = _pad_rows(n)
    np_tot = nps * _NS

    @functools.partial(
        pl.kernel,
        out_type=jax.ShapeDtypeStruct((_NC, np_tot, d), jnp.float32),
        mesh=_sc_mesh(),
        scratch_types=[
            pltpu.VMEM_SHARED((np_tot, d), jnp.float32),
            pltpu.VMEM((_NIB, 2, _K), jnp.int32),
            pltpu.VMEM((_NBUF, _K, d), jnp.float32),
            pltpu.SemaphoreType.DMA((_NIB,)),
            pltpu.SemaphoreType.DMA((_NBUF,)),
            pltpu.SemaphoreType.DMA((_NBUF,)),
            pltpu.SemaphoreType.DMA,
        ],
    )
    def agg_k(table_hbm, idx_hbm, zeros_hbm, out_hbm,
              acc, ibuf, rows, isem, gsem, ssem, zsem):
        c = lax.axis_index("c")
        s = lax.axis_index("s")
        wid = s * _NC + c

        zcopy = pltpu.async_copy(zeros_hbm, acc.at[pl.ds(s * nps, nps)], zsem)

        def idx_issue(ch):
            i = lax.rem(ch, _NIB)
            pltpu.async_copy(idx_hbm.at[wid, ch], ibuf.at[i], isem.at[i])

        def idx_wait(ch):
            i = lax.rem(ch, _NIB)
            pltpu.make_async_copy(idx_hbm.at[wid, ch], ibuf.at[i],
                                  isem.at[i]).wait()

        def gather(ch, b):
            i = lax.rem(ch, _NIB)
            pltpu.async_copy(table_hbm.at[ibuf.at[i, 0]], rows.at[b],
                             gsem.at[b])

        def gather_wait(ch, b):
            i = lax.rem(ch, _NIB)
            pltpu.make_async_copy(table_hbm.at[ibuf.at[i, 0]], rows.at[b],
                                  gsem.at[b]).wait()

        def scatter(ch, b):
            i = lax.rem(ch, _NIB)
            pltpu.async_copy(rows.at[b], acc.at[ibuf.at[i, 1]], ssem.at[b],
                             add=True)

        def scatter_wait(ch, b):
            i = lax.rem(ch, _NIB)
            pltpu.make_async_copy(rows.at[b], acc.at[ibuf.at[i, 1]],
                                  ssem.at[b]).wait()

        for g in range(min(_ID, nch)):
            idx_issue(g)
        for g in range(min(_GD, nch)):
            idx_wait(g)
            gather(g, g)
        zcopy.wait()
        plsc.subcore_barrier()

        def step(ch, carry):
            b = lax.rem(ch, _NBUF)
            bp = lax.rem(ch + _NBUF - 1, _NBUF)
            gather_wait(ch, b)
            scatter(ch, b)

            @pl.when(ch > 0)
            def _():
                scatter_wait(ch - 1, bp)

            @pl.when(ch + _GD < nch)
            def _():
                idx_wait(ch + _GD)
                gather(ch + _GD, bp)

            @pl.when(ch + _ID < nch)
            def _():
                idx_issue(ch + _ID)

            return carry

        lax.fori_loop(0, nch, step, 0)
        scatter_wait(nch - 1, (nch - 1) % _NBUF)
        plsc.subcore_barrier()
        pltpu.sync_copy(acc.at[pl.ds(s * nps, nps)],
                        out_hbm.at[c, pl.ds(s * nps, nps)])

    return agg_k


def _norm_from_counts(cnt_ref, r):
    i = pl.program_id(0)
    cnt = cnt_ref[:, 0, pl.ds(i * r, r)]
    deg = jnp.sum(cnt, axis=0)
    return lax.rsqrt(jnp.maximum(deg, 1.0))


def _mm_scale_body(x_ref, w_ref, cnt_ref, o_ref, *, r):
    nrm = _norm_from_counts(cnt_ref, r)
    h = jnp.dot(x_ref[...], w_ref[...], preferred_element_type=jnp.float32)
    o_ref[...] = h * nrm[:, None]


def _mid_body(aggp_ref, cnt_ref, b_ref, w_ref, o_ref, *, r):
    nrm = _norm_from_counts(cnt_ref, r)
    agg = aggp_ref[0] + aggp_ref[1]
    t = jnp.maximum(agg * nrm[:, None] + b_ref[...], 0.0)
    h = jnp.dot(t, w_ref[...], preferred_element_type=jnp.float32)
    o_ref[...] = h * nrm[:, None]


def _fin_body(aggp_ref, cnt_ref, b_ref, o_ref, *, r):
    nrm = _norm_from_counts(cnt_ref, r)
    agg = aggp_ref[0] + aggp_ref[1]
    o_ref[...] = agg * nrm[:, None] + b_ref[...]


def _tc_calls(n, d, ncnt, r=1280):
    grid = (-(-n // r),)
    row_spec = pl.BlockSpec((r, d), lambda i: (i, 0))
    cnt_spec = pl.BlockSpec((_NW, 1, ncnt), lambda i: (0, 0, 0))
    w_spec = pl.BlockSpec((d, d), lambda i: (0, 0))
    b_spec = pl.BlockSpec((1, d), lambda i: (0, 0))
    agg_spec = pl.BlockSpec((_NC, r, d), lambda i: (0, i, 0))
    out = jax.ShapeDtypeStruct((n, d), jnp.float32)

    mm_scale = pl.pallas_call(
        functools.partial(_mm_scale_body, r=r), grid=grid,
        in_specs=[row_spec, w_spec, cnt_spec],
        out_specs=row_spec, out_shape=out)
    mid = pl.pallas_call(
        functools.partial(_mid_body, r=r), grid=grid,
        in_specs=[agg_spec, cnt_spec, b_spec, w_spec],
        out_specs=row_spec, out_shape=out)
    fin = pl.pallas_call(
        functools.partial(_fin_body, r=r), grid=grid,
        in_specs=[agg_spec, cnt_spec, b_spec],
        out_specs=row_spec, out_shape=out)
    return mm_scale, mid, fin


def kernel(x, edge_index, W0, b0, W1, b1):
    n, d = x.shape
    e = edge_index.shape[1]
    src = edge_index[0]
    dst = edge_index[1]
    b0r = b0.reshape(1, d)
    b1r = b1.reshape(1, d)
    zeros = jnp.zeros((_pad_rows(n), d), jnp.float32)

    ncnt = -(-n // 1280) * 1280
    deg_k = _make_deg(ncnt, e)
    mm_scale, mid, fin = _tc_calls(n, d, ncnt)

    ew = e // _NW
    ew_pad = -(-ew // _K) * _K
    nch = ew_pad // _K
    np_tot = _pad_rows(n) * _NS
    srcw = src.reshape(_NW, ew)
    dstw = dst.reshape(_NW, ew)
    if ew_pad != ew:
        sinks = n + jnp.arange(_NW, dtype=jnp.int32) % (np_tot - n)
        srcw = jnp.pad(srcw, ((0, 0), (0, ew_pad - ew)))
        dstw = jnp.concatenate(
            [dstw, jnp.broadcast_to(sinks[:, None], (_NW, ew_pad - ew))],
            axis=1)
    idx4 = jnp.stack(
        [srcw.reshape(_NW, nch, _K), dstw.reshape(_NW, nch, _K)], axis=2)
    agg_k = _make_agg(n, d, nch)

    counts = deg_k(dst)
    h0p = mm_scale(x, W0, counts)
    aggp = agg_k(h0p, idx4, zeros)
    h1p = mid(aggp, counts, b0r, W1)
    aggp = agg_k(h1p, idx4, zeros)
    return fin(aggp, counts, b1r)

# --- scband reference (transcript-rebuilt; emitter-appended) ---
"""Pipeline reference for scband-feed-forward-graph-base-6906307412106 (READ-ONLY COPY).

The authoritative reference and input builder live on the scoring server;
editing this copy changes nothing except your own understanding.
"""

import jax, jax.numpy as jnp
import numpy as np

N = 10000
E = 320000
D = 128

def setup_inputs(seed: int = 0) -> dict:
    key = jax.random.key(seed)
    k1, k2, k3, k4 = jax.random.split(key, 4)
    x = jax.random.normal(k1, (N, D), dtype=jnp.float32)
    edge_index = jax.random.randint(k2, (2, E), 0, N, dtype=jnp.int32)
    W0 = jax.random.normal(k3, (D, D), dtype=jnp.float32) * 0.05
    b0 = jnp.zeros((D,), dtype=jnp.float32)
    W1 = jax.random.normal(k4, (D, D), dtype=jnp.float32) * 0.05
    b1 = jnp.zeros((D,), dtype=jnp.float32)
    return {"x": x, "edge_index": edge_index, "W0": W0, "b0": b0, "W1": W1, "b1": b1}

def reference(x, edge_index, W0, b0, W1, b1):
    # FeedForwardGraphBase with depth=2 GCN layers (in=128, hidden=128, out=128),
    # relu activation between layers, 'none' last activation, 'none' residual.
    src = edge_index[0]
    dst = edge_index[1]
    # symmetric degree normalization as in GCNConv
    deg = jnp.zeros((N,), dtype=x.dtype).at[dst].add(1.0)
    deg = jnp.clip(deg, 1.0, None)
    norm = jax.lax.rsqrt(deg)
    coef = norm[src] * norm[dst]

    def gcn_layer(h, W, b):
        h = h @ W
        msg = jnp.take(h, src, axis=0) * coef[:, None]
        agg = jnp.zeros_like(h).at[dst].add(msg)
        return agg + b

    h = jax.nn.relu(gcn_layer(x, W0, b0))
    h = gcn_layer(h, W1, b1)
    return h

if __name__ == "__main__":
    import jax
    _d = setup_inputs()
    print(jax.jit(kernel)(*tuple(_d.values())))

</pallas_src>

<mosaic_0001>
#map = affine_map<(d0, d1) -> (0, 0)>
#map1 = affine_map<(d0, d1) -> (0, 0, 0, 0)>
#map2 = affine_map<(d0, d1) -> (0, 0, 0)>
module attributes {stable_mosaic.version = 14 : i64} {
  func.func @agg_k(%arg0: i32, %arg1: i32, %arg2: memref<10000x128xf32, #tpu.memory_space<hbm>>, %arg3: memref<32x100x2x100xi32, #tpu.memory_space<hbm>>, %arg4: memref<632x128xf32, #tpu.memory_space<hbm>>, %arg5: memref<2x10112x128xf32, #tpu.memory_space<hbm>>, %arg6: memref<10112x128xf32, #tpu.memory_space<vmem_shared>>, %arg7: memref<6x2x100xi32, #tpu.memory_space<vmem>>, %arg8: memref<3x100x128xf32, #tpu.memory_space<vmem>>, %arg9: memref<6x!tpu.dma_semaphore, #tpu.memory_space<semaphore_mem>>, %arg10: memref<3x!tpu.dma_semaphore, #tpu.memory_space<semaphore_mem>>, %arg11: memref<3x!tpu.dma_semaphore, #tpu.memory_space<semaphore_mem>>, %arg12: memref<!tpu.dma_semaphore, #tpu.memory_space<semaphore_mem>>) attributes {dimension_semantics = [#tpu.dimension_semantics<core_parallel>, #tpu.dimension_semantics<subcore_parallel>], iteration_bounds = array<i64: 2, 16>, scalar_prefetch = 0 : i64, scratch_operands = 7 : i64, tpu.core_type = #tpu.core_type<sc_vector_subcore>, window_params = [{transform_indices = #map}, {transform_indices = #map1}, {transform_indices = #map}, {transform_indices = #map2}]} {
    %mul3A = arith.constant 2 : i32
    %mul3A_0 = arith.muli %arg1, %mul3A : i32
    %add3A = arith.addi %mul3A_0, %arg0 : i32
    %mul3A_1 = arith.constant 632 : i32
    %mul3A_2 = arith.muli %arg1, %mul3A_1 : i32
    %dma_start3A = arith.constant 0 : i32
    %dma_start3A_3 = tpu.memref_slice %arg6[%mul3A_2, %dma_start3A] : memref<10112x128xf32, #tpu.memory_space<vmem_shared>> -> memref<632x128xf32, #tpu.memory_space<vmem_shared>>
    tpu.enqueue_dma source(%arg4 : memref<632x128xf32, #tpu.memory_space<hbm>>) target(%dma_start3A_3 : memref<632x128xf32, #tpu.memory_space<vmem_shared>>) target_semaphore(%arg12 : memref<!tpu.dma_semaphore, #tpu.memory_space<semaphore_mem>>)
    %rem3A = arith.constant 0 : i32
    %rem3A_4 = arith.constant 6 : i32
    %rem3A_5 = arith.remsi %rem3A, %rem3A_4 : i32
    %dma_start3A_6 = arith.constant 0 : i32
    %dma_start3A_7 = arith.constant 0 : i32
    %dma_start3A_8 = arith.constant 0 : i32
    %dma_start3A_9 = tpu.memref_slice %arg7[%rem3A_5, %dma_start3A_7, %dma_start3A_8] : memref<6x2x100xi32, #tpu.memory_space<vmem>> -> memref<1x2x100xi32, #tpu.memory_space<vmem>>
    %dma_start3A_10 = tpu.memref_squeeze %dma_start3A_9 : memref<1x2x100xi32, #tpu.memory_space<vmem>> -> memref<2x100xi32, #tpu.memory_space<vmem>>
    %dma_start3A_11 = arith.constant 0 : i32
    %dma_start3A_12 = arith.constant 0 : i32
    %dma_start3A_13 = tpu.memref_slice %arg3[%add3A, %dma_start3A_6, %dma_start3A_11, %dma_start3A_12] : memref<32x100x2x100xi32, #tpu.memory_space<hbm>> -> memref<1x1x2x100xi32, #tpu.memory_space<hbm>>
    %dma_start3A_14 = tpu.memref_squeeze %dma_start3A_13 : memref<1x1x2x100xi32, #tpu.memory_space<hbm>> -> memref<2x100xi32, #tpu.memory_space<hbm>>
    %dma_start3A_15 = tpu.memref_slice %arg9[%rem3A_5] : memref<6x!tpu.dma_semaphore, #tpu.memory_space<semaphore_mem>> -> memref<1x!tpu.dma_semaphore, #tpu.memory_space<semaphore_mem>>
    %dma_start3A_16 = tpu.memref_squeeze %dma_start3A_15 : memref<1x!tpu.dma_semaphore, #tpu.memory_space<semaphore_mem>> -> memref<!tpu.dma_semaphore, #tpu.memory_space<semaphore_mem>>
    %dma_start3A_17 = arith.constant 0 : i32
    %dma_start3A_18 = arith.constant 0 : i32
    %dma_start3A_19 = tpu.memref_slice %arg7[%rem3A_5, %dma_start3A_17, %dma_start3A_18] : memref<6x2x100xi32, #tpu.memory_space<vmem>> -> memref<1x2x100xi32, #tpu.memory_space<vmem>>
    %dma_start3A_20 = tpu.memref_squeeze %dma_start3A_19 : memref<1x2x100xi32, #tpu.memory_space<vmem>> -> memref<2x100xi32, #tpu.memory_space<vmem>>
    %dma_start3A_21 = arith.constant 0 : i32
    %dma_start3A_22 = arith.constant 0 : i32
    %dma_start3A_23 = tpu.memref_slice %arg3[%add3A, %dma_start3A_6, %dma_start3A_21, %dma_start3A_22] : memref<32x100x2x100xi32, #tpu.memory_space<hbm>> -> memref<1x1x2x100xi32, #tpu.memory_space<hbm>>
    %dma_start3A_24 = tpu.memref_squeeze %dma_start3A_23 : memref<1x1x2x100xi32, #tpu.memory_space<hbm>> -> memref<2x100xi32, #tpu.memory_space<hbm>>
    tpu.enqueue_dma source(%dma_start3A_24 : memref<2x100xi32, #tpu.memory_space<hbm>>) target(%dma_start3A_20 : memref<2x100xi32, #tpu.memory_space<vmem>>) target_semaphore(%dma_start3A_16 : memref<!tpu.dma_semaphore, #tpu.memory_space<semaphore_mem>>)
    %rem3A_25 = arith.constant 1 : i32
    %rem3A_26 = arith.constant 6 : i32
    %rem3A_27 = arith.remsi %rem3A_25, %rem3A_26 : i32
    %dma_start3A_28 = arith.constant 1 : i32
    %dma_start3A_29 = arith.constant 0 : i32
    %dma_start3A_30 = arith.constant 0 : i32
    %dma_start3A_31 = tpu.memref_slice %arg7[%rem3A_27, %dma_start3A_29, %dma_start3A_30] : memref<6x2x100xi32, #tpu.memory_space<vmem>> -> memref<1x2x100xi32, #tpu.memory_space<vmem>>
    %dma_start3A_32 = tpu.memref_squeeze %dma_start3A_31 : memref<1x2x100xi32, #tpu.memory_space<vmem>> -> memref<2x100xi32, #tpu.memory_space<vmem>>
    %dma_start3A_33 = arith.constant 0 : i32
    %dma_start3A_34 = arith.constant 0 : i32
    %dma_start3A_35 = tpu.memref_slice %arg3[%add3A, %dma_start3A_28, %dma_start3A_33, %dma_start3A_34] : memref<32x100x2x100xi32, #tpu.memory_space<hbm>> -> memref<1x1x2x100xi32, #tpu.memory_space<hbm>>
    %dma_start3A_36 = tpu.memref_squeeze %dma_start3A_35 : memref<1x1x2x100xi32, #tpu.memory_space<hbm>> -> memref<2x100xi32, #tpu.memory_space<hbm>>
    %dma_start3A_37 = tpu.memref_slice %arg9[%rem3A_27] : memref<6x!tpu.dma_semaphore, #tpu.memory_space<semaphore_mem>> -> memref<1x!tpu.dma_semaphore, #tpu.memory_space<semaphore_mem>>
    %dma_start3A_38 = tpu.memref_squeeze %dma_start3A_37 : memref<1x!tpu.dma_semaphore, #tpu.memory_space<semaphore_mem>> -> memref<!tpu.dma_semaphore, #tpu.memory_space<semaphore_mem>>
    %dma_start3A_39 = arith.constant 0 : i32
    %dma_start3A_40 = arith.constant 0 : i32
    %dma_start3A_41 = tpu.memref_slice %arg7[%rem3A_27, %dma_start3A_39, %dma_start3A_40] : memref<6x2x100xi32, #tpu.memory_space<vmem>> -> memref<1x2x100xi32, #tpu.memory_space<vmem>>
    %dma_start3A_42 = tpu.memref_squeeze %dma_start3A_41 : memref<1x2x100xi32, #tpu.memory_space<vmem>> -> memref<2x100xi32, #tpu.memory_space<vmem>>
    %dma_start3A_43 = arith.constant 0 : i32
    %dma_start3A_44 = arith.constant 0 : i32
    %dma_start3A_45 = tpu.memref_slice %arg3[%add3A, %dma_start3A_28, %dma_start3A_43, %dma_start3A_44] : memref<32x100x2x100xi32, #tpu.memory_space<hbm>> -> memref<1x1x2x100xi32, #tpu.memory_space<hbm>>
    %dma_start3A_46 = tpu.memref_squeeze %dma_start3A_45 : memref<1x1x2x100xi32, #tpu.memory_space<hbm>> -> memref<2x100xi32, #tpu.memory_space<hbm>>
    tpu.enqueue_dma source(%dma_start3A_46 : memref<2x100xi32, #tpu.memory_space<hbm>>) target(%dma_start3A_42 : memref<2x100xi32, #tpu.memory_space<vmem>>) target_semaphore(%dma_start3A_38 : memref<!tpu.dma_semaphore, #tpu.memory_space<semaphore_mem>>)
    %rem3A_47 = arith.constant 2 : i32
    %rem3A_48 = arith.constant 6 : i32
    %rem3A_49 = arith.remsi %rem3A_47, %rem3A_48 : i32
    %dma_start3A_50 = arith.constant 2 : i32
    %dma_start3A_51 = arith.constant 0 : i32
    %dma_start3A_52 = arith.constant 0 : i32
    %dma_start3A_53 = tpu.memref_slice %arg7[%rem3A_49, %dma_start3A_51, %dma_start3A_52] : memref<6x2x100xi32, #tpu.memory_space<vmem>> -> memref<1x2x100xi32, #tpu.memory_space<vmem>>
    %dma_start3A_54 = tpu.memref_squeeze %dma_start3A_53 : memref<1x2x100xi32, #tpu.memory_space<vmem>> -> memref<2x100xi32, #tpu.memory_space<vmem>>
    %dma_start3A_55 = arith.constant 0 : i32
    %dma_start3A_56 = arith.constant 0 : i32
    %dma_start3A_57 = tpu.memref_slice %arg3[%add3A, %dma_start3A_50, %dma_start3A_55, %dma_start3A_56] : memref<32x100x2x100xi32, #tpu.memory_space<hbm>> -> memref<1x1x2x100xi32, #tpu.memory_space<hbm>>
    %dma_start3A_58 = tpu.memref_squeeze %dma_start3A_57 : memref<1x1x2x100xi32, #tpu.memory_space<hbm>> -> memref<2x100xi32, #tpu.memory_space<hbm>>
    %dma_start3A_59 = tpu.memref_slice %arg9[%rem3A_49] : memref<6x!tpu.dma_semaphore, #tpu.memory_space<semaphore_mem>> -> memref<1x!tpu.dma_semaphore, #tpu.memory_space<semaphore_mem>>
    %dma_start3A_60 = tpu.memref_squeeze %dma_start3A_59 : memref<1x!tpu.dma_semaphore, #tpu.memory_space<semaphore_mem>> -> memref<!tpu.dma_semaphore, #tpu.memory_space<semaphore_mem>>
    %dma_start3A_61 = arith.constant 0 : i32
    %dma_start3A_62 = arith.constant 0 : i32
    %dma_start3A_63 = tpu.memref_slice %arg7[%rem3A_49, %dma_start3A_61, %dma_start3A_62] : memref<6x2x100xi32, #tpu.memory_space<vmem>> -> memref<1x2x100xi32, #tpu.memory_space<vmem>>
    %dma_start3A_64 = tpu.memref_squeeze %dma_start3A_63 : memref<1x2x100xi32, #tpu.memory_space<vmem>> -> memref<2x100xi32, #tpu.memory_space<vmem>>
    %dma_start3A_65 = arith.constant 0 : i32
    %dma_start3A_66 = arith.constant 0 : i32
    %dma_start3A_67 = tpu.memref_slice %arg3[%add3A, %dma_start3A_50, %dma_start3A_65, %dma_start3A_66] : memref<32x100x2x100xi32, #tpu.memory_space<hbm>> -> memref<1x1x2x100xi32, #tpu.memory_space<hbm>>
    %dma_start3A_68 = tpu.memref_squeeze %dma_start3A_67 : memref<1x1x2x100xi32, #tpu.memory_space<hbm>> -> memref<2x100xi32, #tpu.memory_space<hbm>>
    tpu.enqueue_dma source(%dma_start3A_68 : memref<2x100xi32, #tpu.memory_space<hbm>>) target(%dma_start3A_64 : memref<2x100xi32, #tpu.memory_space<vmem>>) target_semaphore(%dma_start3A_60 : memref<!tpu.dma_semaphore, #tpu.memory_space<semaphore_mem>>)
    %rem3A_69 = arith.constant 3 : i32
    %rem3A_70 = arith.constant 6 : i32
    %rem3A_71 = arith.remsi %rem3A_69, %rem3A_70 : i32
    %dma_start3A_72 = arith.constant 3 : i32
    %dma_start3A_73 = arith.constant 0 : i32
    %dma_start3A_74 = arith.constant 0 : i32
    %dma_start3A_75 = tpu.memref_slice %arg7[%rem3A_71, %dma_start3A_73, %dma_start3A_74] : memref<6x2x100xi32, #tpu.memory_space<vmem>> -> memref<1x2x100xi32, #tpu.memory_space<vmem>>
    %dma_start3A_76 = tpu.memref_squeeze %dma_start3A_75 : memref<1x2x100xi32, #tpu.memory_space<vmem>> -> memref<2x100xi32, #tpu.memory_space<vmem>>
    %dma_start3A_77 = arith.constant 0 : i32
    %dma_start3A_78 = arith.constant 0 : i32
    %dma_start3A_79 = tpu.memref_slice %arg3[%add3A, %dma_start3A_72, %dma_start3A_77, %dma_start3A_78] : memref<32x100x2x100xi32, #tpu.memory_space<hbm>> -> memref<1x1x2x100xi32, #tpu.memory_space<hbm>>
    %dma_start3A_80 = tpu.memref_squeeze %dma_start3A_79 : memref<1x1x2x100xi32, #tpu.memory_space<hbm>> -> memref<2x100xi32, #tpu.memory_space<hbm>>
    %dma_start3A_81 = tpu.memref_slice %arg9[%rem3A_71] : memref<6x!tpu.dma_semaphore, #tpu.memory_space<semaphore_mem>> -> memref<1x!tpu.dma_semaphore, #tpu.memory_space<semaphore_mem>>
    %dma_start3A_82 = tpu.memref_squeeze %dma_start3A_81 : memref<1x!tpu.dma_semaphore, #tpu.memory_space<semaphore_mem>> -> memref<!tpu.dma_semaphore, #tpu.memory_space<semaphore_mem>>
    %dma_start3A_83 = arith.constant 0 : i32
    %dma_start3A_84 = arith.constant 0 : i32
    %dma_start3A_85 = tpu.memref_slice %arg7[%rem3A_71, %dma_start3A_83, %dma_start3A_84] : memref<6x2x100xi32, #tpu.memory_space<vmem>> -> memref<1x2x100xi32, #tpu.memory_space<vmem>>
    %dma_start3A_86 = tpu.memref_squeeze %dma_start3A_85 : memref<1x2x100xi32, #tpu.memory_space<vmem>> -> memref<2x100xi32, #tpu.memory_space<vmem>>
    %dma_start3A_87 = arith.constant 0 : i32
    %dma_start3A_88 = arith.constant 0 : i32
    %dma_start3A_89 = tpu.memref_slice %arg3[%add3A, %dma_start3A_72, %dma_start3A_87, %dma_start3A_88] : memref<32x100x2x100xi32, #tpu.memory_space<hbm>> -> memref<1x1x2x100xi32, #tpu.memory_space<hbm>>
    %dma_start3A_90 = tpu.memref_squeeze %dma_start3A_89 : memref<1x1x2x100xi32, #tpu.memory_space<hbm>> -> memref<2x100xi32, #tpu.memory_space<hbm>>
    tpu.enqueue_dma source(%dma_start3A_90 : memref<2x100xi32, #tpu.memory_space<hbm>>) target(%dma_start3A_86 : memref<2x100xi32, #tpu.memory_space<vmem>>) target_semaphore(%dma_start3A_82 : memref<!tpu.dma_semaphore, #tpu.memory_space<semaphore_mem>>)
    %rem3A_91 = arith.constant 0 : i32
    %rem3A_92 = arith.constant 6 : i32
    %rem3A_93 = arith.remsi %rem3A_91, %rem3A_92 : i32
    %dma_wait3A = arith.constant 0 : i32
    %dma_wait3A_94 = arith.constant 0 : i32
    %dma_wait3A_95 = arith.constant 0 : i32
    %dma_wait3A_96 = tpu.memref_slice %arg7[%rem3A_93, %dma_wait3A_94, %dma_wait3A_95] : memref<6x2x100xi32, #tpu.memory_space<vmem>> -> memref<1x2x100xi32, #tpu.memory_space<vmem>>
    %dma_wait3A_97 = tpu.memref_squeeze %dma_wait3A_96 : memref<1x2x100xi32, #tpu.memory_space<vmem>> -> memref<2x100xi32, #tpu.memory_space<vmem>>
    %dma_wait3A_98 = arith.constant 0 : i32
    %dma_wait3A_99 = arith.constant 0 : i32
    %dma_wait3A_100 = tpu.memref_slice %arg3[%add3A, %dma_wait3A, %dma_wait3A_98, %dma_wait3A_99] : memref<32x100x2x100xi32, #tpu.memory_space<hbm>> -> memref<1x1x2x100xi32, #tpu.memory_space<hbm>>
    %dma_wait3A_101 = tpu.memref_squeeze %dma_wait3A_100 : memref<1x1x2x100xi32, #tpu.memory_space<hbm>> -> memref<2x100xi32, #tpu.memory_space<hbm>>
    %dma_wait3A_102 = tpu.memref_slice %arg9[%rem3A_93] : memref<6x!tpu.dma_semaphore, #tpu.memory_space<semaphore_mem>> -> memref<1x!tpu.dma_semaphore, #tpu.memory_space<semaphore_mem>>
    %dma_wait3A_103 = tpu.memref_squeeze %dma_wait3A_102 : memref<1x!tpu.dma_semaphore, #tpu.memory_space<semaphore_mem>> -> memref<!tpu.dma_semaphore, #tpu.memory_space<semaphore_mem>>
    %dma_wait3A_104 = arith.constant 0 : i32
    %dma_wait3A_105 = arith.constant 0 : i32
    %dma_wait3A_106 = tpu.memref_slice %arg7[%rem3A_93, %dma_wait3A_104, %dma_wait3A_105] : memref<6x2x100xi32, #tpu.memory_space<vmem>> -> memref<1x2x100xi32, #tpu.memory_space<vmem>>
    %dma_wait3A_107 = tpu.memref_squeeze %dma_wait3A_106 : memref<1x2x100xi32, #tpu.memory_space<vmem>> -> memref<2x100xi32, #tpu.memory_space<vmem>>
    %dma_wait3A_108 = arith.constant 0 : i32
    %dma_wait3A_109 = arith.constant 0 : i32
    %dma_wait3A_110 = tpu.memref_slice %arg3[%add3A, %dma_wait3A, %dma_wait3A_108, %dma_wait3A_109] : memref<32x100x2x100xi32, #tpu.memory_space<hbm>> -> memref<1x1x2x100xi32, #tpu.memory_space<hbm>>
    %dma_wait3A_111 = tpu.memref_squeeze %dma_wait3A_110 : memref<1x1x2x100xi32, #tpu.memory_space<hbm>> -> memref<2x100xi32, #tpu.memory_space<hbm>>
    tpu.wait_dma2 semaphore(%dma_wait3A_103 : memref<!tpu.dma_semaphore, #tpu.memory_space<semaphore_mem>>) src(%dma_wait3A_111 : memref<2x100xi32, #tpu.memory_space<hbm>>) dst(%dma_wait3A_107 : memref<2x100xi32, #tpu.memory_space<vmem>>)
    %rem3A_112 = arith.constant 0 : i32
    %rem3A_113 = arith.constant 6 : i32
    %rem3A_114 = arith.remsi %rem3A_112, %rem3A_113 : i32
    %dma_start3A_115 = arith.constant 0 : i32
    %dma_start3A_116 = arith.constant 0 : i32
    %dma_start3A_117 = arith.constant 0 : i32
    %dma_start3A_118 = arith.constant 0 : i32
    %dma_start3A_119 = arith.constant 0 : i32
    %dma_start3A_120 = tpu.memref_slice %arg8[%dma_start3A_116, %dma_start3A_118, %dma_start3A_119] : memref<3x100x128xf32, #tpu.memory_space<vmem>> -> memref<1x100x128xf32, #tpu.memory_space<vmem>>
    %dma_start3A_121 = tpu.memref_squeeze %dma_start3A_120 : memref<1x100x128xf32, #tpu.memory_space<vmem>> -> memref<100x128xf32, #tpu.memory_space<vmem>>
    %dma_start3A_122 = arith.constant 0 : i32
    %dma_start3A_123 = tpu.memref_slice %arg7[%rem3A_114, %dma_start3A_115, %dma_start3A_122] : memref<6x2x100xi32, #tpu.memory_space<vmem>> -> memref<1x1x100xi32, #tpu.memory_space<vmem>>
    %dma_start3A_124 = tpu.memref_squeeze %dma_start3A_123 : memref<1x1x100xi32, #tpu.memory_space<vmem>> -> memref<100xi32, #tpu.memory_space<vmem>>
    %dma_start3A_125 = arith.constant 0 : i32
    %dma_start3A_126 = arith.constant 0 : i32
    %dma_start3A_127 = tpu.memref_slice %arg2[%dma_start3A_125, %dma_start3A_126] : memref<10000x128xf32, #tpu.memory_space<hbm>> -> memref<10000x128xf32, #tpu.memory_space<hbm>>
    %dma_start3A_128 = tpu.memref_slice %arg10[%dma_start3A_117] : memref<3x!tpu.dma_semaphore, #tpu.memory_space<semaphore_mem>> -> memref<1x!tpu.dma_semaphore, #tpu.memory_space<semaphore_mem>>
    %dma_start3A_129 = tpu.memref_squeeze %dma_start3A_128 : memref<1x!tpu.dma_semaphore, #tpu.memory_space<semaphore_mem>> -> memref<!tpu.dma_semaphore, #tpu.memory_space<semaphore_mem>>
    tpu.enqueue_indirect_dma source(%dma_start3A_127 : memref<10000x128xf32, #tpu.memory_space<hbm>>) target(%dma_start3A_121 : memref<100x128xf32, #tpu.memory_space<vmem>>) offsets(%dma_start3A_124 : memref<100xi32, #tpu.memory_space<vmem>>) semaphore(%dma_start3A_129 : memref<!tpu.dma_semaphore, #tpu.memory_space<semaphore_mem>>)
    %rem3A_130 = arith.constant 1 : i32
    %rem3A_131 = arith.constant 6 : i32
    %rem3A_132 = arith.remsi %rem3A_130, %rem3A_131 : i32
    %dma_wait3A_133 = arith.constant 1 : i32
    %dma_wait3A_134 = arith.constant 0 : i32
    %dma_wait3A_135 = arith.constant 0 : i32
    %dma_wait3A_136 = tpu.memref_slice %arg7[%rem3A_132, %dma_wait3A_134, %dma_wait3A_135] : memref<6x2x100xi32, #tpu.memory_space<vmem>> -> memref<1x2x100xi32, #tpu.memory_space<vmem>>
    %dma_wait3A_137 = tpu.memref_squeeze %dma_wait3A_136 : memref<1x2x100xi32, #tpu.memory_space<vmem>> -> memref<2x100xi32, #tpu.memory_space<vmem>>
    %dma_wait3A_138 = arith.constant 0 : i32
    %dma_wait3A_139 = arith.constant 0 : i32
    %dma_wait3A_140 = tpu.memref_slice %arg3[%add3A, %dma_wait3A_133, %dma_wait3A_138, %dma_wait3A_139] : memref<32x100x2x100xi32, #tpu.memory_space<hbm>> -> memref<1x1x2x100xi32, #tpu.memory_space<hbm>>
    %dma_wait3A_141 = tpu.memref_squeeze %dma_wait3A_140 : memref<1x1x2x100xi32, #tpu.memory_space<hbm>> -> memref<2x100xi32, #tpu.memory_space<hbm>>
    %dma_wait3A_142 = tpu.memref_slice %arg9[%rem3A_132] : memref<6x!tpu.dma_semaphore, #tpu.memory_space<semaphore_mem>> -> memref<1x!tpu.dma_semaphore, #tpu.memory_space<semaphore_mem>>
    %dma_wait3A_143 = tpu.memref_squeeze %dma_wait3A_142 : memref<1x!tpu.dma_semaphore, #tpu.memory_space<semaphore_mem>> -> memref<!tpu.dma_semaphore, #tpu.memory_space<semaphore_mem>>
    %dma_wait3A_144 = arith.constant 0 : i32
    %dma_wait3A_145 = arith.constant 0 : i32
    %dma_wait3A_146 = tpu.memref_slice %arg7[%rem3A_132, %dma_wait3A_144, %dma_wait3A_145] : memref<6x2x100xi32, #tpu.memory_space<vmem>> -> memref<1x2x100xi32, #tpu.memory_space<vmem>>
    %dma_wait3A_147 = tpu.memref_squeeze %dma_wait3A_146 : memref<1x2x100xi32, #tpu.memory_space<vmem>> -> memref<2x100xi32, #tpu.memory_space<vmem>>
    %dma_wait3A_148 = arith.constant 0 : i32
    %dma_wait3A_149 = arith.constant 0 : i32
    %dma_wait3A_150 = tpu.memref_slice %arg3[%add3A, %dma_wait3A_133, %dma_wait3A_148, %dma_wait3A_149] : memref<32x100x2x100xi32, #tpu.memory_space<hbm>> -> memref<1x1x2x100xi32, #tpu.memory_space<hbm>>
    %dma_wait3A_151 = tpu.memref_squeeze %dma_wait3A_150 : memref<1x1x2x100xi32, #tpu.memory_space<hbm>> -> memref<2x100xi32, #tpu.memory_space<hbm>>
    tpu.wait_dma2 semaphore(%dma_wait3A_143 : memref<!tpu.dma_semaphore, #tpu.memory_space<semaphore_mem>>) src(%dma_wait3A_151 : memref<2x100xi32, #tpu.memory_space<hbm>>) dst(%dma_wait3A_147 : memref<2x100xi32, #tpu.memory_space<vmem>>)
    %rem3A_152 = arith.constant 1 : i32
    %rem3A_153 = arith.constant 6 : i32
    %rem3A_154 = arith.remsi %rem3A_152, %rem3A_153 : i32
    %dma_start3A_155 = arith.constant 0 : i32
    %dma_start3A_156 = arith.constant 1 : i32
    %dma_start3A_157 = arith.constant 1 : i32
    %dma_start3A_158 = arith.constant 0 : i32
    %dma_start3A_159 = arith.constant 0 : i32
    %dma_start3A_160 = tpu.memref_slice %arg8[%dma_start3A_156, %dma_start3A_158, %dma_start3A_159] : memref<3x100x128xf32, #tpu.memory_space<vmem>> -> memref<1x100x128xf32, #tpu.memory_space<vmem>>
    %dma_start3A_161 = tpu.memref_squeeze %dma_start3A_160 : memref<1x100x128xf32, #tpu.memory_space<vmem>> -> memref<100x128xf32, #tpu.memory_space<vmem>>
    %dma_start3A_162 = arith.constant 0 : i32
    %dma_start3A_163 = tpu.memref_slice %arg7[%rem3A_154, %dma_start3A_155, %dma_start3A_162] : memref<6x2x100xi32, #tpu.memory_space<vmem>> -> memref<1x1x100xi32, #tpu.memory_space<vmem>>
    %dma_start3A_164 = tpu.memref_squeeze %dma_start3A_163 : memref<1x1x100xi32, #tpu.memory_space<vmem>> -> memref<100xi32, #tpu.memory_space<vmem>>
    %dma_start3A_165 = arith.constant 0 : i32
    %dma_start3A_166 = arith.constant 0 : i32
    %dma_start3A_167 = tpu.memref_slice %arg2[%dma_start3A_165, %dma_start3A_166] : memref<10000x128xf32, #tpu.memory_space<hbm>> -> memref<10000x128xf32, #tpu.memory_space<hbm>>
    %dma_start3A_168 = tpu.memref_slice %arg10[%dma_start3A_157] : memref<3x!tpu.dma_semaphore, #tpu.memory_space<semaphore_mem>> -> memref<1x!tpu.dma_semaphore, #tpu.memory_space<semaphore_mem>>
    %dma_start3A_169 = tpu.memref_squeeze %dma_start3A_168 : memref<1x!tpu.dma_semaphore, #tpu.memory_space<semaphore_mem>> -> memref<!tpu.dma_semaphore, #tpu.memory_space<semaphore_mem>>
    tpu.enqueue_indirect_dma source(%dma_start3A_167 : memref<10000x128xf32, #tpu.memory_space<hbm>>) target(%dma_start3A_161 : memref<100x128xf32, #tpu.memory_space<vmem>>) offsets(%dma_start3A_164 : memref<100xi32, #tpu.memory_space<vmem>>) semaphore(%dma_start3A_169 : memref<!tpu.dma_semaphore, #tpu.memory_space<semaphore_mem>>)
    %dma_wait3A_170 = arith.constant 0 : i32
    %dma_wait3A_171 = tpu.memref_slice %arg6[%mul3A_2, %dma_wait3A_170] : memref<10112x128xf32, #tpu.memory_space<vmem_shared>> -> memref<632x128xf32, #tpu.memory_space<vmem_shared>>
    tpu.wait_dma2 semaphore(%arg12 : memref<!tpu.dma_semaphore, #tpu.memory_space<semaphore_mem>>) src(%arg4 : memref<632x128xf32, #tpu.memory_space<hbm>>) dst(%dma_wait3A_171 : memref<632x128xf32, #tpu.memory_space<vmem_shared>>)
    %barrier3A = arith.constant 0 : index
    tpu.barrier barrier_id(%barrier3A)
    %scan3A = arith.constant 0 : i32
    %scan3A_172 = arith.constant 0 : i32
    %scan3A_173 = arith.constant 100 : i32
    %scan3A_174 = arith.addi %scan3A_172, %scan3A_173 : i32
    %scan3A_175 = arith.constant 1 : i32
    scf.for %scan3A_200 = %scan3A_172 to %scan3A_174 step %scan3A_175  : i32 {
      %rem3A_201 = arith.constant 3 : i32
      %rem3A_202 = arith.remsi %scan3A_200, %rem3A_201 : i32
      %add3A_203 = arith.constant 3 : i32
      %add3A_204 = arith.addi %scan3A_200, %add3A_203 : i32
      %sub3A = arith.constant 1 : i32
      %sub3A_205 = arith.subi %add3A_204, %sub3A : i32
      %rem3A_206 = arith.constant 3 : i32
      %rem3A_207 = arith.remsi %sub3A_205, %rem3A_206 : i32
      %rem3A_208 = arith.constant 6 : i32
      %rem3A_209 = arith.remsi %scan3A_200, %rem3A_208 : i32
      %dma_wait3A_210 = arith.constant 0 : i32
      %dma_wait3A_211 = arith.constant 0 : i32
      %dma_wait3A_212 = arith.constant 0 : i32
      %dma_wait3A_213 = tpu.memref_slice %arg8[%rem3A_202, %dma_wait3A_211, %dma_wait3A_212] : memref<3x100x128xf32, #tpu.memory_space<vmem>> -> memref<1x100x128xf32, #tpu.memory_space<vmem>>
      %dma_wait3A_214 = tpu.memref_squeeze %dma_wait3A_213 : memref<1x100x128xf32, #tpu.memory_space<vmem>> -> memref<100x128xf32, #tpu.memory_space<vmem>>
      %dma_wait3A_215 = arith.constant 0 : i32
      %dma_wait3A_216 = tpu.memref_slice %arg7[%rem3A_209, %dma_wait3A_210, %dma_wait3A_215] : memref<6x2x100xi32, #tpu.memory_space<vmem>> -> memref<1x1x100xi32, #tpu.memory_space<vmem>>
      %dma_wait3A_217 = tpu.memref_squeeze %dma_wait3A_216 : memref<1x1x100xi32, #tpu.memory_space<vmem>> -> memref<100xi32, #tpu.memory_space<vmem>>
      %dma_wait3A_218 = arith.constant 0 : i32
      %dma_wait3A_219 = arith.constant 0 : i32
      %dma_wait3A_220 = tpu.memref_slice %arg2[%dma_wait3A_218, %dma_wait3A_219] : memref<10000x128xf32, #tpu.memory_space<hbm>> -> memref<10000x128xf32, #tpu.memory_space<hbm>>
      %dma_wait3A_221 = tpu.memref_slice %arg10[%rem3A_202] : memref<3x!tpu.dma_semaphore, #tpu.memory_space<semaphore_mem>> -> memref<1x!tpu.dma_semaphore, #tpu.memory_space<semaphore_mem>>
      %dma_wait3A_222 = tpu.memref_squeeze %dma_wait3A_221 : memref<1x!tpu.dma_semaphore, #tpu.memory_space<semaphore_mem>> -> memref<!tpu.dma_semaphore, #tpu.memory_space<semaphore_mem>>
      tpu.wait_indirect_dma semaphore(%dma_wait3A_222 : memref<!tpu.dma_semaphore, #tpu.memory_space<semaphore_mem>>) src(%dma_wait3A_220 : memref<10000x128xf32, #tpu.memory_space<hbm>>) dst(%dma_wait3A_214 : memref<100x128xf32, #tpu.memory_space<vmem>>)
      %rem3A_223 = arith.constant 6 : i32
      %rem3A_224 = arith.remsi %scan3A_200, %rem3A_223 : i32
      %dma_start3A_225 = arith.constant 1 : i32
      %dma_start3A_226 = arith.constant 0 : i32
      %dma_start3A_227 = arith.constant 0 : i32
      %dma_start3A_228 = tpu.memref_slice %arg8[%rem3A_202, %dma_start3A_226, %dma_start3A_227] : memref<3x100x128xf32, #tpu.memory_space<vmem>> -> memref<1x100x128xf32, #tpu.memory_space<vmem>>
      %dma_start3A_229 = tpu.memref_squeeze %dma_start3A_228 : memref<1x100x128xf32, #tpu.memory_space<vmem>> -> memref<100x128xf32, #tpu.memory_space<vmem>>
      %dma_start3A_230 = arith.constant 0 : i32
      %dma_start3A_231 = tpu.memref_slice %arg7[%rem3A_224, %dma_start3A_225, %dma_start3A_230] : memref<6x2x100xi32, #tpu.memory_space<vmem>> -> memref<1x1x100xi32, #tpu.memory_space<vmem>>
      %dma_start3A_232 = tpu.memref_squeeze %dma_start3A_231 : memref<1x1x100xi32, #tpu.memory_space<vmem>> -> memref<100xi32, #tpu.memory_space<vmem>>
      %dma_start3A_233 = arith.constant 0 : i32
      %dma_start3A_234 = arith.constant 0 : i32
      %dma_start3A_235 = tpu.memref_slice %arg6[%dma_start3A_233, %dma_start3A_234] : memref<10112x128xf32, #tpu.memory_space<vmem_shared>> -> memref<10112x128xf32, #tpu.memory_space<vmem_shared>>
      %dma_start3A_236 = tpu.memref_slice %arg11[%rem3A_202] : memref<3x!tpu.dma_semaphore, #tpu.memory_space<semaphore_mem>> -> memref<1x!tpu.dma_semaphore, #tpu.memory_space<semaphore_mem>>
      %dma_start3A_237 = tpu.memref_squeeze %dma_start3A_236 : memref<1x!tpu.dma_semaphore, #tpu.memory_space<semaphore_mem>> -> memref<!tpu.dma_semaphore, #tpu.memory_space<semaphore_mem>>
      tpu.enqueue_indirect_dma source(%dma_start3A_229 : memref<100x128xf32, #tpu.memory_space<vmem>>) target(%dma_start3A_235 : memref<10112x128xf32, #tpu.memory_space<vmem_shared>>) offsets(%dma_start3A_232 : memref<100xi32, #tpu.memory_space<vmem>>) semaphore(%dma_start3A_237 : memref<!tpu.dma_semaphore, #tpu.memory_space<semaphore_mem>>) {add = true}
      %gt3A = arith.constant 0 : i32
      %gt3A_238 = arith.cmpi sgt, %scan3A_200, %gt3A : i32
      %convert_element_type3A = arith.extui %gt3A_238 : i1 to i32
      %cond3A = arith.constant 0 : i32
      %cond3A_239 = arith.cmpi ne, %convert_element_type3A, %cond3A : i32
      scf.if %cond3A_239 {
        %sub3A_253 = arith.constant 1 : i32
        %sub3A_254 = arith.subi %scan3A_200, %sub3A_253 : i32
        %rem3A_255 = arith.constant 6 : i32
        %rem3A_256 = arith.remsi %sub3A_254, %rem3A_255 : i32
        %dma_wait3A_257 = arith.constant 1 : i32
        %dma_wait3A_258 = arith.constant 0 : i32
        %dma_wait3A_259 = arith.constant 0 : i32
        %dma_wait3A_260 = tpu.memref_slice %arg8[%rem3A_207, %dma_wait3A_258, %dma_wait3A_259] : memref<3x100x128xf32, #tpu.memory_space<vmem>> -> memref<1x100x128xf32, #tpu.memory_space<vmem>>
        %dma_wait3A_261 = tpu.memref_squeeze %dma_wait3A_260 : memref<1x100x128xf32, #tpu.memory_space<vmem>> -> memref<100x128xf32, #tpu.memory_space<vmem>>
        %dma_wait3A_262 = arith.constant 0 : i32
        %dma_wait3A_263 = tpu.memref_slice %arg7[%rem3A_256, %dma_wait3A_257, %dma_wait3A_262] : memref<6x2x100xi32, #tpu.memory_space<vmem>> -> memref<1x1x100xi32, #tpu.memory_space<vmem>>
        %dma_wait3A_264 = tpu.memref_squeeze %dma_wait3A_263 : memref<1x1x100xi32, #tpu.memory_space<vmem>> -> memref<100xi32, #tpu.memory_space<vmem>>
        %dma_wait3A_265 = arith.constant 0 : i32
        %dma_wait3A_266 = arith.constant 0 : i32
        %dma_wait3A_267 = tpu.memref_slice %arg6[%dma_wait3A_265, %dma_wait3A_266] : memref<10112x128xf32, #tpu.memory_space<vmem_shared>> -> memref<10112x128xf32, #tpu.memory_space<vmem_shared>>
        %dma_wait3A_268 = tpu.memref_slice %arg11[%rem3A_207] : memref<3x!tpu.dma_semaphore, #tpu.memory_space<semaphore_mem>> -> memref<1x!tpu.dma_semaphore, #tpu.memory_space<semaphore_mem>>
        %dma_wait3A_269 = tpu.memref_squeeze %dma_wait3A_268 : memref<1x!tpu.dma_semaphore, #tpu.memory_space<semaphore_mem>> -> memref<!tpu.dma_semaphore, #tpu.memory_space<semaphore_mem>>
        tpu.wait_indirect_dma semaphore(%dma_wait3A_269 : memref<!tpu.dma_semaphore, #tpu.memory_space<semaphore_mem>>) src(%dma_wait3A_261 : memref<100x128xf32, #tpu.memory_space<vmem>>) dst(%dma_wait3A_267 : memref<10112x128xf32, #tpu.memory_space<vmem_shared>>)
      } else {
      }
      %add3A_240 = arith.constant 2 : i32
      %add3A_241 = arith.addi %scan3A_200, %add3A_240 : i32
      %lt3A = arith.constant 100 : i32
      %lt3A_242 = arith.cmpi slt, %add3A_241, %lt3A : i32
      %convert_element_type3A_243 = arith.extui %lt3A_242 : i1 to i32
      %cond3A_244 = arith.constant 0 : i32
      %cond3A_245 = arith.cmpi ne, %convert_element_type3A_243, %cond3A_244 : i32
      scf.if %cond3A_245 {
        %add3A_253 = arith.constant 2 : i32
        %add3A_254 = arith.addi %scan3A_200, %add3A_253 : i32
        %rem3A_255 = arith.constant 6 : i32
        %rem3A_256 = arith.remsi %add3A_254, %rem3A_255 : i32
        %dma_wait3A_257 = arith.constant 0 : i32
        %dma_wait3A_258 = arith.constant 0 : i32
        %dma_wait3A_259 = tpu.memref_slice %arg7[%rem3A_256, %dma_wait3A_257, %dma_wait3A_258] : memref<6x2x100xi32, #tpu.memory_space<vmem>> -> memref<1x2x100xi32, #tpu.memory_space<vmem>>
        %dma_wait3A_260 = tpu.memref_squeeze %dma_wait3A_259 : memref<1x2x100xi32, #tpu.memory_space<vmem>> -> memref<2x100xi32, #tpu.memory_space<vmem>>
        %dma_wait3A_261 = arith.constant 0 : i32
        %dma_wait3A_262 = arith.constant 0 : i32
        %dma_wait3A_263 = tpu.memref_slice %arg3[%add3A, %add3A_254, %dma_wait3A_261, %dma_wait3A_262] : memref<32x100x2x100xi32, #tpu.memory_space<hbm>> -> memref<1x1x2x100xi32, #tpu.memory_space<hbm>>
        %dma_wait3A_264 = tpu.memref_squeeze %dma_wait3A_263 : memref<1x1x2x100xi32, #tpu.memory_space<hbm>> -> memref<2x100xi32, #tpu.memory_space<hbm>>
        %dma_wait3A_265 = tpu.memref_slice %arg9[%rem3A_256] : memref<6x!tpu.dma_semaphore, #tpu.memory_space<semaphore_mem>> -> memref<1x!tpu.dma_semaphore, #tpu.memory_space<semaphore_mem>>
        %dma_wait3A_266 = tpu.memref_squeeze %dma_wait3A_265 : memref<1x!tpu.dma_semaphore, #tpu.memory_space<semaphore_mem>> -> memref<!tpu.dma_semaphore, #tpu.memory_space<semaphore_mem>>
        %dma_wait3A_267 = arith.constant 0 : i32
        %dma_wait3A_268 = arith.constant 0 : i32
        %dma_wait3A_269 = tpu.memref_slice %arg7[%rem3A_256, %dma_wait3A_267, %dma_wait3A_268] : memref<6x2x100xi32, #tpu.memory_space<vmem>> -> memref<1x2x100xi32, #tpu.memory_space<vmem>>
        %dma_wait3A_270 = tpu.memref_squeeze %dma_wait3A_269 : memref<1x2x100xi32, #tpu.memory_space<vmem>> -> memref<2x100xi32, #tpu.memory_space<vmem>>
        %dma_wait3A_271 = arith.constant 0 : i32
        %dma_wait3A_272 = arith.constant 0 : i32
        %dma_wait3A_273 = tpu.memref_slice %arg3[%add3A, %add3A_254, %dma_wait3A_271, %dma_wait3A_272] : memref<32x100x2x100xi32, #tpu.memory_space<hbm>> -> memref<1x1x2x100xi32, #tpu.memory_space<hbm>>
        %dma_wait3A_274 = tpu.memref_squeeze %dma_wait3A_273 : memref<1x1x2x100xi32, #tpu.memory_space<hbm>> -> memref<2x100xi32, #tpu.memory_space<hbm>>
        tpu.wait_dma2 semaphore(%dma_wait3A_266 : memref<!tpu.dma_semaphore, #tpu.memory_space<semaphore_mem>>) src(%dma_wait3A_274 : memref<2x100xi32, #tpu.memory_space<hbm>>) dst(%dma_wait3A_270 : memref<2x100xi32, #tpu.memory_space<vmem>>)
        %add3A_275 = arith.constant 2 : i32
        %add3A_276 = arith.addi %scan3A_200, %add3A_275 : i32
        %rem3A_277 = arith.constant 6 : i32
        %rem3A_278 = arith.remsi %add3A_276, %rem3A_277 : i32
        %dma_start3A_279 = arith.constant 0 : i32
        %dma_start3A_280 = arith.constant 0 : i32
        %dma_start3A_281 = arith.constant 0 : i32
        %dma_start3A_282 = tpu.memref_slice %arg8[%rem3A_207, %dma_start3A_280, %dma_start3A_281] : memref<3x100x128xf32, #tpu.memory_space<vmem>> -> memref<1x100x128xf32, #tpu.memory_space<vmem>>
        %dma_start3A_283 = tpu.memref_squeeze %dma_start3A_282 : memref<1x100x128xf32, #tpu.memory_space<vmem>> -> memref<100x128xf32, #tpu.memory_space<vmem>>
        %dma_start3A_284 = arith.constant 0 : i32
        %dma_start3A_285 = tpu.memref_slice %arg7[%rem3A_278, %dma_start3A_279, %dma_start3A_284] : memref<6x2x100xi32, #tpu.memory_space<vmem>> -> memref<1x1x100xi32, #tpu.memory_space<vmem>>
        %dma_start3A_286 = tpu.memref_squeeze %dma_start3A_285 : memref<1x1x100xi32, #tpu.memory_space<vmem>> -> memref<100xi32, #tpu.memory_space<vmem>>
        %dma_start3A_287 = arith.constant 0 : i32
        %dma_start3A_288 = arith.constant 0 : i32
        %dma_start3A_289 = tpu.memref_slice %arg2[%dma_start3A_287, %dma_start3A_288] : memref<10000x128xf32, #tpu.memory_space<hbm>> -> memref<10000x128xf32, #tpu.memory_space<hbm>>
        %dma_start3A_290 = tpu.memref_slice %arg10[%rem3A_207] : memref<3x!tpu.dma_semaphore, #tpu.memory_space<semaphore_mem>> -> memref<1x!tpu.dma_semaphore, #tpu.memory_space<semaphore_mem>>
        %dma_start3A_291 = tpu.memref_squeeze %dma_start3A_290 : memref<1x!tpu.dma_semaphore, #tpu.memory_space<semaphore_mem>> -> memref<!tpu.dma_semaphore, #tpu.memory_space<semaphore_mem>>
        tpu.enqueue_indirect_dma source(%dma_start3A_289 : memref<10000x128xf32, #tpu.memory_space<hbm>>) target(%dma_start3A_283 : memref<100x128xf32, #tpu.memory_space<vmem>>) offsets(%dma_start3A_286 : memref<100xi32, #tpu.memory_space<vmem>>) semaphore(%dma_start3A_291 : memref<!tpu.dma_semaphore, #tpu.memory_space<semaphore_mem>>)
      } else {
      }
      %add3A_246 = arith.constant 4 : i32
      %add3A_247 = arith.addi %scan3A_200, %add3A_246 : i32
      %lt3A_248 = arith.constant 100 : i32
      %lt3A_249 = arith.cmpi slt, %add3A_247, %lt3A_248 : i32
      %convert_element_type3A_250 = arith.extui %lt3A_249 : i1 to i32
      %cond3A_251 = arith.constant 0 : i32
      %cond3A_252 = arith.cmpi ne, %convert_element_type3A_250, %cond3A_251 : i32
      scf.if %cond3A_252 {
        %add3A_253 = arith.constant 4 : i32
        %add3A_254 = arith.addi %scan3A_200, %add3A_253 : i32
        %rem3A_255 = arith.constant 6 : i32
        %rem3A_256 = arith.remsi %add3A_254, %rem3A_255 : i32
        %dma_start3A_257 = arith.constant 0 : i32
        %dma_start3A_258 = arith.constant 0 : i32
        %dma_start3A_259 = tpu.memref_slice %arg7[%rem3A_256, %dma_start3A_257, %dma_start3A_258] : memref<6x2x100xi32, #tpu.memory_space<vmem>> -> memref<1x2x100xi32, #tpu.memory_space<vmem>>
        %dma_start3A_260 = tpu.memref_squeeze %dma_start3A_259 : memref<1x2x100xi32, #tpu.memory_space<vmem>> -> memref<2x100xi32, #tpu.memory_space<vmem>>
        %dma_start3A_261 = arith.constant 0 : i32
        %dma_start3A_262 = arith.constant 0 : i32
        %dma_start3A_263 = tpu.memref_slice %arg3[%add3A, %add3A_254, %dma_start3A_261, %dma_start3A_262] : memref<32x100x2x100xi32, #tpu.memory_space<hbm>> -> memref<1x1x2x100xi32, #tpu.memory_space<hbm>>
        %dma_start3A_264 = tpu.memref_squeeze %dma_start3A_263 : memref<1x1x2x100xi32, #tpu.memory_space<hbm>> -> memref<2x100xi32, #tpu.memory_space<hbm>>
        %dma_start3A_265 = tpu.memref_slice %arg9[%rem3A_256] : memref<6x!tpu.dma_semaphore, #tpu.memory_space<semaphore_mem>> -> memref<1x!tpu.dma_semaphore, #tpu.memory_space<semaphore_mem>>
        %dma_start3A_266 = tpu.memref_squeeze %dma_start3A_265 : memref<1x!tpu.dma_semaphore, #tpu.memory_space<semaphore_mem>> -> memref<!tpu.dma_semaphore, #tpu.memory_space<semaphore_mem>>
        %dma_start3A_267 = arith.constant 0 : i32
        %dma_start3A_268 = arith.constant 0 : i32
        %dma_start3A_269 = tpu.memref_slice %arg7[%rem3A_256, %dma_start3A_267, %dma_start3A_268] : memref<6x2x100xi32, #tpu.memory_space<vmem>> -> memref<1x2x100xi32, #tpu.memory_space<vmem>>
        %dma_start3A_270 = tpu.memref_squeeze %dma_start3A_269 : memref<1x2x100xi32, #tpu.memory_space<vmem>> -> memref<2x100xi32, #tpu.memory_space<vmem>>
        %dma_start3A_271 = arith.constant 0 : i32
        %dma_start3A_272 = arith.constant 0 : i32
        %dma_start3A_273 = tpu.memref_slice %arg3[%add3A, %add3A_254, %dma_start3A_271, %dma_start3A_272] : memref<32x100x2x100xi32, #tpu.memory_space<hbm>> -> memref<1x1x2x100xi32, #tpu.memory_space<hbm>>
        %dma_start3A_274 = tpu.memref_squeeze %dma_start3A_273 : memref<1x1x2x100xi32, #tpu.memory_space<hbm>> -> memref<2x100xi32, #tpu.memory_space<hbm>>
        tpu.enqueue_dma source(%dma_start3A_274 : memref<2x100xi32, #tpu.memory_space<hbm>>) target(%dma_start3A_270 : memref<2x100xi32, #tpu.memory_space<vmem>>) target_semaphore(%dma_start3A_266 : memref<!tpu.dma_semaphore, #tpu.memory_space<semaphore_mem>>)
      } else {
      }
    }
    %scan3A_176 = arith.constant 100 : i32
    %rem3A_177 = arith.constant 99 : i32
    %rem3A_178 = arith.constant 6 : i32
    %rem3A_179 = arith.remsi %rem3A_177, %rem3A_178 : i32
    %dma_wait3A_180 = arith.constant 0 : i32
    %dma_wait3A_181 = arith.constant 1 : i32
    %dma_wait3A_182 = arith.constant 0 : i32
    %dma_wait3A_183 = arith.constant 0 : i32
    %dma_wait3A_184 = arith.constant 0 : i32
    %dma_wait3A_185 = tpu.memref_slice %arg8[%dma_wait3A_180, %dma_wait3A_183, %dma_wait3A_184] : memref<3x100x128xf32, #tpu.memory_space<vmem>> -> memref<1x100x128xf32, #tpu.memory_space<vmem>>
    %dma_wait3A_186 = tpu.memref_squeeze %dma_wait3A_185 : memref<1x100x128xf32, #tpu.memory_space<vmem>> -> memref<100x128xf32, #tpu.memory_space<vmem>>
    %dma_wait3A_187 = arith.constant 0 : i32
    %dma_wait3A_188 = tpu.memref_slice %arg7[%rem3A_179, %dma_wait3A_181, %dma_wait3A_187] : memref<6x2x100xi32, #tpu.memory_space<vmem>> -> memref<1x1x100xi32, #tpu.memory_space<vmem>>
    %dma_wait3A_189 = tpu.memref_squeeze %dma_wait3A_188 : memref<1x1x100xi32, #tpu.memory_space<vmem>> -> memref<100xi32, #tpu.memory_space<vmem>>
    %dma_wait3A_190 = arith.constant 0 : i32
    %dma_wait3A_191 = arith.constant 0 : i32
    %dma_wait3A_192 = tpu.memref_slice %arg6[%dma_wait3A_190, %dma_wait3A_191] : memref<10112x128xf32, #tpu.memory_space<vmem_shared>> -> memref<10112x128xf32, #tpu.memory_space<vmem_shared>>
    %dma_wait3A_193 = tpu.memref_slice %arg11[%dma_wait3A_182] : memref<3x!tpu.dma_semaphore, #tpu.memory_space<semaphore_mem>> -> memref<1x!tpu.dma_semaphore, #tpu.memory_space<semaphore_mem>>
    %dma_wait3A_194 = tpu.memref_squeeze %dma_wait3A_193 : memref<1x!tpu.dma_semaphore, #tpu.memory_space<semaphore_mem>> -> memref<!tpu.dma_semaphore, #tpu.memory_space<semaphore_mem>>
    tpu.wait_indirect_dma semaphore(%dma_wait3A_194 : memref<!tpu.dma_semaphore, #tpu.memory_space<semaphore_mem>>) src(%dma_wait3A_186 : memref<100x128xf32, #tpu.memory_space<vmem>>) dst(%dma_wait3A_192 : memref<10112x128xf32, #tpu.memory_space<vmem_shared>>)
    %barrier3A_195 = arith.constant 0 : index
    tpu.barrier barrier_id(%barrier3A_195)
    %mul3A_196 = arith.constant 632 : i32
    %mul3A_197 = arith.muli %arg1, %mul3A_196 : i32
    %mul3A_198 = arith.constant 632 : i32
    %mul3A_199 = arith.muli %arg1, %mul3A_198 : i32
    "tpu.region"() ({
      %run_scoped3A = tpu.sem_alloc : memref<!tpu.dma_semaphore, #tpu.memory_space<semaphore_mem>>
      %dma_start3A_200 = arith.constant 0 : i32
      %dma_start3A_201 = tpu.memref_slice %arg5[%arg0, %mul3A_199, %dma_start3A_200] : memref<2x10112x128xf32, #tpu.memory_space<hbm>> -> memref<1x632x128xf32, #tpu.memory_space<hbm>>
      %dma_start3A_202 = tpu.memref_squeeze %dma_start3A_201 : memref<1x632x128xf32, #tpu.memory_space<hbm>> -> memref<632x128xf32, #tpu.memory_space<hbm>>
      %dma_start3A_203 = arith.constant 0 : i32
      %dma_start3A_204 = tpu.memref_slice %arg6[%mul3A_197, %dma_start3A_203] : memref<10112x128xf32, #tpu.memory_space<vmem_shared>> -> memref<632x128xf32, #tpu.memory_space<vmem_shared>>
      tpu.enqueue_dma source(%dma_start3A_204 : memref<632x128xf32, #tpu.memory_space<vmem_shared>>) target(%dma_start3A_202 : memref<632x128xf32, #tpu.memory_space<hbm>>) target_semaphore(%run_scoped3A : memref<!tpu.dma_semaphore, #tpu.memory_space<semaphore_mem>>)
      %dma_wait3A_205 = arith.constant 0 : i32
      %dma_wait3A_206 = tpu.memref_slice %arg5[%arg0, %mul3A_199, %dma_wait3A_205] : memref<2x10112x128xf32, #tpu.memory_space<hbm>> -> memref<1x632x128xf32, #tpu.memory_space<hbm>>
      %dma_wait3A_207 = tpu.memref_squeeze %dma_wait3A_206 : memref<1x632x128xf32, #tpu.memory_space<hbm>> -> memref<632x128xf32, #tpu.memory_space<hbm>>
      %dma_wait3A_208 = arith.constant 0 : i32
      %dma_wait3A_209 = tpu.memref_slice %arg6[%mul3A_197, %dma_wait3A_208] : memref<10112x128xf32, #tpu.memory_space<vmem_shared>> -> memref<632x128xf32, #tpu.memory_space<vmem_shared>>
      tpu.wait_dma2 semaphore(%run_scoped3A : memref<!tpu.dma_semaphore, #tpu.memory_space<semaphore_mem>>) src(%dma_wait3A_209 : memref<632x128xf32, #tpu.memory_space<vmem_shared>>) dst(%dma_wait3A_207 : memref<632x128xf32, #tpu.memory_space<hbm>>)
      tpu.yield
    }) : () -> ()
    return
  }
}

#map = affine_map<(d0, d1) -> (0)>
#map1 = affine_map<(d0, d1) -> (0, 0, 0)>
module attributes {stable_mosaic.version = 14 : i64} {
  func.func @deg_k(%arg0: i32, %arg1: i32, %arg2: memref<320000xi32, #tpu.memory_space<hbm>>, %arg3: memref<32x1x10240xf32, #tpu.memory_space<hbm>>, %arg4: memref<10000xi32, #tpu.memory_space<vmem>>, %arg5: memref<10240xf32, #tpu.memory_space<vmem>>) attributes {dimension_semantics = [#tpu.dimension_semantics<core_parallel>, #tpu.dimension_semantics<subcore_parallel>], iteration_bounds = array<i64: 2, 16>, scalar_prefetch = 0 : i64, scratch_operands = 2 : i64, tpu.core_type = #tpu.core_type<sc_vector_subcore>, window_params = [{transform_indices = #map}, {transform_indices = #map1}]} {
    %mul3A = arith.constant 2 : i32
    %mul3A_0 = arith.muli %arg1, %mul3A : i32
    %add3A = arith.addi %mul3A_0, %arg0 : i32
    %broadcast_in_dim3A = arith.constant 0.000000e+00 : f32
    %broadcast_in_dim3A_1 = vector.broadcast %broadcast_in_dim3A : f32 to vector<16xf32>
    %scan3A = arith.constant 0 : i32
    %scan3A_2 = arith.constant 0 : i32
    %scan3A_3 = arith.constant 640 : i32
    %scan3A_4 = arith.addi %scan3A_2, %scan3A_3 : i32
    %scan3A_5 = arith.constant 1 : i32
    scf.for %scan3A_17 = %scan3A_2 to %scan3A_4 step %scan3A_5  : i32 {
      %mul3A_18 = arith.constant 16 : i32
      %mul3A_19 = arith.muli %scan3A_17, %mul3A_18 : i32
      %swap3A = arith.index_cast %mul3A_19 : i32 to index
      %swap3A_20 = tpu.vector_load %arg5[%swap3A] {strides = array<i32>} : memref<10240xf32, #tpu.memory_space<vmem>>, vector<16xf32>,
      tpu.vector_store %arg5[%swap3A], %broadcast_in_dim3A_1 {strides = array<i32>} : memref<10240xf32, #tpu.memory_space<vmem>>, vector<16xf32>,
    }
    %scan3A_6 = arith.constant 640 : i32
    %mul3A_7 = arith.constant 10000 : i32
    %mul3A_8 = arith.muli %add3A, %mul3A_7 : i32
    "tpu.region"() ({
      %run_scoped3A_17 = tpu.sem_alloc : memref<!tpu.dma_semaphore, #tpu.memory_space<semaphore_mem>>
      %dma_start3A = tpu.memref_slice %arg2[%mul3A_8] : memref<320000xi32, #tpu.memory_space<hbm>> -> memref<10000xi32, #tpu.memory_space<hbm>>
      %dma_start3A_18 = tpu.memref_slice %arg2[%mul3A_8] : memref<320000xi32, #tpu.memory_space<hbm>> -> memref<10000xi32, #tpu.memory_space<hbm>>
      tpu.enqueue_dma source(%dma_start3A_18 : memref<10000xi32, #tpu.memory_space<hbm>>) target(%arg4 : memref<10000xi32, #tpu.memory_space<vmem>>) target_semaphore(%run_scoped3A_17 : memref<!tpu.dma_semaphore, #tpu.memory_space<semaphore_mem>>)
      %dma_wait3A = tpu.memref_slice %arg2[%mul3A_8] : memref<320000xi32, #tpu.memory_space<hbm>> -> memref<10000xi32, #tpu.memory_space<hbm>>
      %dma_wait3A_19 = tpu.memref_slice %arg2[%mul3A_8] : memref<320000xi32, #tpu.memory_space<hbm>> -> memref<10000xi32, #tpu.memory_space<hbm>>
      tpu.wait_dma2 semaphore(%run_scoped3A_17 : memref<!tpu.dma_semaphore, #tpu.memory_space<semaphore_mem>>) src(%dma_wait3A_19 : memref<10000xi32, #tpu.memory_space<hbm>>) dst(%arg4 : memref<10000xi32, #tpu.memory_space<vmem>>)
      tpu.yield
    }) : () -> ()
    %broadcast_in_dim3A_9 = arith.constant 1.000000e+00 : f32
    %broadcast_in_dim3A_10 = vector.broadcast %broadcast_in_dim3A_9 : f32 to vector<16xf32>
    %scan3A_11 = arith.constant 0 : i32
    %scan3A_12 = arith.constant 0 : i32
    %scan3A_13 = arith.constant 625 : i32
    %scan3A_14 = arith.addi %scan3A_12, %scan3A_13 : i32
    %scan3A_15 = arith.constant 1 : i32
    scf.for %scan3A_17 = %scan3A_12 to %scan3A_14 step %scan3A_15  : i32 {
      %mul3A_18 = arith.constant 16 : i32
      %mul3A_19 = arith.muli %scan3A_17, %mul3A_18 : i32
      %get3A = arith.index_cast %mul3A_19 : i32 to index
      %get3A_20 = tpu.vector_load %arg4[%get3A] {strides = array<i32>} : memref<10000xi32, #tpu.memory_space<vmem>>, vector<16xi32>,
      tpu.vector_store_idx %arg5[%get3A_20], %broadcast_in_dim3A_10 {add = true} : memref<10240xf32, #tpu.memory_space<vmem>>[vector<16xi32>], vector<16xf32>,
    }
    %scan3A_16 = arith.constant 625 : i32
    %run_scoped3A = arith.constant 0 : i32
    "tpu.region"() ({
      %run_scoped3A_17 = tpu.sem_alloc : memref<!tpu.dma_semaphore, #tpu.memory_space<semaphore_mem>>
      %dma_start3A = arith.constant 0 : i32
      %dma_start3A_18 = tpu.memref_slice %arg3[%add3A, %run_scoped3A, %dma_start3A] : memref<32x1x10240xf32, #tpu.memory_space<hbm>> -> memref<1x1x10240xf32, #tpu.memory_space<hbm>>
      %dma_start3A_19 = tpu.memref_squeeze %dma_start3A_18 : memref<1x1x10240xf32, #tpu.memory_space<hbm>> -> memref<10240xf32, #tpu.memory_space<hbm>>
      %dma_start3A_20 = arith.constant 0 : i32
      %dma_start3A_21 = tpu.memref_slice %arg3[%add3A, %run_scoped3A, %dma_start3A_20] : memref<32x1x10240xf32, #tpu.memory_space<hbm>> -> memref<1x1x10240xf32, #tpu.memory_space<hbm>>
      %dma_start3A_22 = tpu.memref_squeeze %dma_start3A_21 : memref<1x1x10240xf32, #tpu.memory_space<hbm>> -> memref<10240xf32, #tpu.memory_space<hbm>>
      tpu.enqueue_dma source(%arg5 : memref<10240xf32, #tpu.memory_space<vmem>>) target(%dma_start3A_22 : memref<10240xf32, #tpu.memory_space<hbm>>) target_semaphore(%run_scoped3A_17 : memref<!tpu.dma_semaphore, #tpu.memory_space<semaphore_mem>>)
      %dma_wait3A = arith.constant 0 : i32
      %dma_wait3A_23 = tpu.memref_slice %arg3[%add3A, %run_scoped3A, %dma_wait3A] : memref<32x1x10240xf32, #tpu.memory_space<hbm>> -> memref<1x1x10240xf32, #tpu.memory_space<hbm>>
      %dma_wait3A_24 = tpu.memref_squeeze %dma_wait3A_23 : memref<1x1x10240xf32, #tpu.memory_space<hbm>> -> memref<10240xf32, #tpu.memory_space<hbm>>
      %dma_wait3A_25 = arith.constant 0 : i32
      %dma_wait3A_26 = tpu.memref_slice %arg3[%add3A, %run_scoped3A, %dma_wait3A_25] : memref<32x1x10240xf32, #tpu.memory_space<hbm>> -> memref<1x1x10240xf32, #tpu.memory_space<hbm>>
      %dma_wait3A_27 = tpu.memref_squeeze %dma_wait3A_26 : memref<1x1x10240xf32, #tpu.memory_space<hbm>> -> memref<10240xf32, #tpu.memory_space<hbm>>
      tpu.wait_dma2 semaphore(%run_scoped3A_17 : memref<!tpu.dma_semaphore, #tpu.memory_space<semaphore_mem>>) src(%arg5 : memref<10240xf32, #tpu.memory_space<vmem>>) dst(%dma_wait3A_27 : memref<10240xf32, #tpu.memory_space<hbm>>)
      tpu.yield
    }) : () -> ()
    return
  }
}

#map = affine_map<(d0, d1) -> (0, 0)>
#map1 = affine_map<(d0, d1) -> (0, 0, 0, 0)>
#map2 = affine_map<(d0, d1) -> (0, 0, 0)>
module attributes {stable_mosaic.version = 14 : i64} {
  func.func @agg_k(%arg0: i32, %arg1: i32, %arg2: memref<10000x128xf32, #tpu.memory_space<hbm>>, %arg3: memref<32x100x2x100xi32, #tpu.memory_space<hbm>>, %arg4: memref<632x128xf32, #tpu.memory_space<hbm>>, %arg5: memref<2x10112x128xf32, #tpu.memory_space<hbm>>, %arg6: memref<10112x128xf32, #tpu.memory_space<vmem_shared>>, %arg7: memref<6x2x100xi32, #tpu.memory_space<vmem>>, %arg8: memref<3x100x128xf32, #tpu.memory_space<vmem>>, %arg9: memref<6x!tpu.dma_semaphore, #tpu.memory_space<semaphore_mem>>, %arg10: memref<3x!tpu.dma_semaphore, #tpu.memory_space<semaphore_mem>>, %arg11: memref<3x!tpu.dma_semaphore, #tpu.memory_space<semaphore_mem>>, %arg12: memref<!tpu.dma_semaphore, #tpu.memory_space<semaphore_mem>>) attributes {dimension_semantics = [#tpu.dimension_semantics<core_parallel>, #tpu.dimension_semantics<subcore_parallel>], iteration_bounds = array<i64: 2, 16>, scalar_prefetch = 0 : i64, scratch_operands = 7 : i64, tpu.core_type = #tpu.core_type<sc_vector_subcore>, window_params = [{transform_indices = #map}, {transform_indices = #map1}, {transform_indices = #map}, {transform_indices = #map2}]} {
    %mul3A = arith.constant 2 : i32
    %mul3A_0 = arith.muli %arg1, %mul3A : i32
    %add3A = arith.addi %mul3A_0, %arg0 : i32
    %mul3A_1 = arith.constant 632 : i32
    %mul3A_2 = arith.muli %arg1, %mul3A_1 : i32
    %dma_start3A = arith.constant 0 : i32
    %dma_start3A_3 = tpu.memref_slice %arg6[%mul3A_2, %dma_start3A] : memref<10112x128xf32, #tpu.memory_space<vmem_shared>> -> memref<632x128xf32, #tpu.memory_space<vmem_shared>>
    tpu.enqueue_dma source(%arg4 : memref<632x128xf32, #tpu.memory_space<hbm>>) target(%dma_start3A_3 : memref<632x128xf32, #tpu.memory_space<vmem_shared>>) target_semaphore(%arg12 : memref<!tpu.dma_semaphore, #tpu.memory_space<semaphore_mem>>)
    %rem3A = arith.constant 0 : i32
    %rem3A_4 = arith.constant 6 : i32
    %rem3A_5 = arith.remsi %rem3A, %rem3A_4 : i32
    %dma_start3A_6 = arith.constant 0 : i32
    %dma_start3A_7 = arith.constant 0 : i32
    %dma_start3A_8 = arith.constant 0 : i32
    %dma_start3A_9 = tpu.memref_slice %arg7[%rem3A_5, %dma_start3A_7, %dma_start3A_8] : memref<6x2x100xi32, #tpu.memory_space<vmem>> -> memref<1x2x100xi32, #tpu.memory_space<vmem>>
    %dma_start3A_10 = tpu.memref_squeeze %dma_start3A_9 : memref<1x2x100xi32, #tpu.memory_space<vmem>> -> memref<2x100xi32, #tpu.memory_space<vmem>>
    %dma_start3A_11 = arith.constant 0 : i32
    %dma_start3A_12 = arith.constant 0 : i32
    %dma_start3A_13 = tpu.memref_slice %arg3[%add3A, %dma_start3A_6, %dma_start3A_11, %dma_start3A_12] : memref<32x100x2x100xi32, #tpu.memory_space<hbm>> -> memref<1x1x2x100xi32, #tpu.memory_space<hbm>>
    %dma_start3A_14 = tpu.memref_squeeze %dma_start3A_13 : memref<1x1x2x100xi32, #tpu.memory_space<hbm>> -> memref<2x100xi32, #tpu.memory_space<hbm>>
    %dma_start3A_15 = tpu.memref_slice %arg9[%rem3A_5] : memref<6x!tpu.dma_semaphore, #tpu.memory_space<semaphore_mem>> -> memref<1x!tpu.dma_semaphore, #tpu.memory_space<semaphore_mem>>
    %dma_start3A_16 = tpu.memref_squeeze %dma_start3A_15 : memref<1x!tpu.dma_semaphore, #tpu.memory_space<semaphore_mem>> -> memref<!tpu.dma_semaphore, #tpu.memory_space<semaphore_mem>>
    %dma_start3A_17 = arith.constant 0 : i32
    %dma_start3A_18 = arith.constant 0 : i32
    %dma_start3A_19 = tpu.memref_slice %arg7[%rem3A_5, %dma_start3A_17, %dma_start3A_18] : memref<6x2x100xi32, #tpu.memory_space<vmem>> -> memref<1x2x100xi32, #tpu.memory_space<vmem>>
    %dma_start3A_20 = tpu.memref_squeeze %dma_start3A_19 : memref<1x2x100xi32, #tpu.memory_space<vmem>> -> memref<2x100xi32, #tpu.memory_space<vmem>>
    %dma_start3A_21 = arith.constant 0 : i32
    %dma_start3A_22 = arith.constant 0 : i32
    %dma_start3A_23 = tpu.memref_slice %arg3[%add3A, %dma_start3A_6, %dma_start3A_21, %dma_start3A_22] : memref<32x100x2x100xi32, #tpu.memory_space<hbm>> -> memref<1x1x2x100xi32, #tpu.memory_space<hbm>>
    %dma_start3A_24 = tpu.memref_squeeze %dma_start3A_23 : memref<1x1x2x100xi32, #tpu.memory_space<hbm>> -> memref<2x100xi32, #tpu.memory_space<hbm>>
    tpu.enqueue_dma source(%dma_start3A_24 : memref<2x100xi32, #tpu.memory_space<hbm>>) target(%dma_start3A_20 : memref<2x100xi32, #tpu.memory_space<vmem>>) target_semaphore(%dma_start3A_16 : memref<!tpu.dma_semaphore, #tpu.memory_space<semaphore_mem>>)
    %rem3A_25 = arith.constant 1 : i32
    %rem3A_26 = arith.constant 6 : i32
    %rem3A_27 = arith.remsi %rem3A_25, %rem3A_26 : i32
    %dma_start3A_28 = arith.constant 1 : i32
    %dma_start3A_29 = arith.constant 0 : i32
    %dma_start3A_30 = arith.constant 0 : i32
    %dma_start3A_31 = tpu.memref_slice %arg7[%rem3A_27, %dma_start3A_29, %dma_start3A_30] : memref<6x2x100xi32, #tpu.memory_space<vmem>> -> memref<1x2x100xi32, #tpu.memory_space<vmem>>
    %dma_start3A_32 = tpu.memref_squeeze %dma_start3A_31 : memref<1x2x100xi32, #tpu.memory_space<vmem>> -> memref<2x100xi32, #tpu.memory_space<vmem>>
    %dma_start3A_33 = arith.constant 0 : i32
    %dma_start3A_34 = arith.constant 0 : i32
    %dma_start3A_35 = tpu.memref_slice %arg3[%add3A, %dma_start3A_28, %dma_start3A_33, %dma_start3A_34] : memref<32x100x2x100xi32, #tpu.memory_space<hbm>> -> memref<1x1x2x100xi32, #tpu.memory_space<hbm>>
    %dma_start3A_36 = tpu.memref_squeeze %dma_start3A_35 : memref<1x1x2x100xi32, #tpu.memory_space<hbm>> -> memref<2x100xi32, #tpu.memory_space<hbm>>
    %dma_start3A_37 = tpu.memref_slice %arg9[%rem3A_27] : memref<6x!tpu.dma_semaphore, #tpu.memory_space<semaphore_mem>> -> memref<1x!tpu.dma_semaphore, #tpu.memory_space<semaphore_mem>>
    %dma_start3A_38 = tpu.memref_squeeze %dma_start3A_37 : memref<1x!tpu.dma_semaphore, #tpu.memory_space<semaphore_mem>> -> memref<!tpu.dma_semaphore, #tpu.memory_space<semaphore_mem>>
    %dma_start3A_39 = arith.constant 0 : i32
    %dma_start3A_40 = arith.constant 0 : i32
    %dma_start3A_41 = tpu.memref_slice %arg7[%rem3A_27, %dma_start3A_39, %dma_start3A_40] : memref<6x2x100xi32, #tpu.memory_space<vmem>> -> memref<1x2x100xi32, #tpu.memory_space<vmem>>
    %dma_start3A_42 = tpu.memref_squeeze %dma_start3A_41 : memref<1x2x100xi32, #tpu.memory_space<vmem>> -> memref<2x100xi32, #tpu.memory_space<vmem>>
    %dma_start3A_43 = arith.constant 0 : i32
    %dma_start3A_44 = arith.constant 0 : i32
    %dma_start3A_45 = tpu.memref_slice %arg3[%add3A, %dma_start3A_28, %dma_start3A_43, %dma_start3A_44] : memref<32x100x2x100xi32, #tpu.memory_space<hbm>> -> memref<1x1x2x100xi32, #tpu.memory_space<hbm>>
    %dma_start3A_46 = tpu.memref_squeeze %dma_start3A_45 : memref<1x1x2x100xi32, #tpu.memory_space<hbm>> -> memref<2x100xi32, #tpu.memory_space<hbm>>
    tpu.enqueue_dma source(%dma_start3A_46 : memref<2x100xi32, #tpu.memory_space<hbm>>) target(%dma_start3A_42 : memref<2x100xi32, #tpu.memory_space<vmem>>) target_semaphore(%dma_start3A_38 : memref<!tpu.dma_semaphore, #tpu.memory_space<semaphore_mem>>)
    %rem3A_47 = arith.constant 2 : i32
    %rem3A_48 = arith.constant 6 : i32
    %rem3A_49 = arith.remsi %rem3A_47, %rem3A_48 : i32
    %dma_start3A_50 = arith.constant 2 : i32
    %dma_start3A_51 = arith.constant 0 : i32
    %dma_start3A_52 = arith.constant 0 : i32
    %dma_start3A_53 = tpu.memref_slice %arg7[%rem3A_49, %dma_start3A_51, %dma_start3A_52] : memref<6x2x100xi32, #tpu.memory_space<vmem>> -> memref<1x2x100xi32, #tpu.memory_space<vmem>>
    %dma_start3A_54 = tpu.memref_squeeze %dma_start3A_53 : memref<1x2x100xi32, #tpu.memory_space<vmem>> -> memref<2x100xi32, #tpu.memory_space<vmem>>
    %dma_start3A_55 = arith.constant 0 : i32
    %dma_start3A_56 = arith.constant 0 : i32
    %dma_start3A_57 = tpu.memref_slice %arg3[%add3A, %dma_start3A_50, %dma_start3A_55, %dma_start3A_56] : memref<32x100x2x100xi32, #tpu.memory_space<hbm>> -> memref<1x1x2x100xi32, #tpu.memory_space<hbm>>
    %dma_start3A_58 = tpu.memref_squeeze %dma_start3A_57 : memref<1x1x2x100xi32, #tpu.memory_space<hbm>> -> memref<2x100xi32, #tpu.memory_space<hbm>>
    %dma_start3A_59 = tpu.memref_slice %arg9[%rem3A_49] : memref<6x!tpu.dma_semaphore, #tpu.memory_space<semaphore_mem>> -> memref<1x!tpu.dma_semaphore, #tpu.memory_space<semaphore_mem>>
    %dma_start3A_60 = tpu.memref_squeeze %dma_start3A_59 : memref<1x!tpu.dma_semaphore, #tpu.memory_space<semaphore_mem>> -> memref<!tpu.dma_semaphore, #tpu.memory_space<semaphore_mem>>
    %dma_start3A_61 = arith.constant 0 : i32
    %dma_start3A_62 = arith.constant 0 : i32
    %dma_start3A_63 = tpu.memref_slice %arg7[%rem3A_49, %dma_start3A_61, %dma_start3A_62] : memref<6x2x100xi32, #tpu.memory_space<vmem>> -> memref<1x2x100xi32, #tpu.memory_space<vmem>>
    %dma_start3A_64 = tpu.memref_squeeze %dma_start3A_63 : memref<1x2x100xi32, #tpu.memory_space<vmem>> -> memref<2x100xi32, #tpu.memory_space<vmem>>
    %dma_start3A_65 = arith.constant 0 : i32
    %dma_start3A_66 = arith.constant 0 : i32
    %dma_start3A_67 = tpu.memref_slice %arg3[%add3A, %dma_start3A_50, %dma_start3A_65, %dma_start3A_66] : memref<32x100x2x100xi32, #tpu.memory_space<hbm>> -> memref<1x1x2x100xi32, #tpu.memory_space<hbm>>
    %dma_start3A_68 = tpu.memref_squeeze %dma_start3A_67 : memref<1x1x2x100xi32, #tpu.memory_space<hbm>> -> memref<2x100xi32, #tpu.memory_space<hbm>>
    tpu.enqueue_dma source(%dma_start3A_68 : memref<2x100xi32, #tpu.memory_space<hbm>>) target(%dma_start3A_64 : memref<2x100xi32, #tpu.memory_space<vmem>>) target_semaphore(%dma_start3A_60 : memref<!tpu.dma_semaphore, #tpu.memory_space<semaphore_mem>>)
    %rem3A_69 = arith.constant 3 : i32
    %rem3A_70 = arith.constant 6 : i32
    %rem3A_71 = arith.remsi %rem3A_69, %rem3A_70 : i32
    %dma_start3A_72 = arith.constant 3 : i32
    %dma_start3A_73 = arith.constant 0 : i32
    %dma_start3A_74 = arith.constant 0 : i32
    %dma_start3A_75 = tpu.memref_slice %arg7[%rem3A_71, %dma_start3A_73, %dma_start3A_74] : memref<6x2x100xi32, #tpu.memory_space<vmem>> -> memref<1x2x100xi32, #tpu.memory_space<vmem>>
    %dma_start3A_76 = tpu.memref_squeeze %dma_start3A_75 : memref<1x2x100xi32, #tpu.memory_space<vmem>> -> memref<2x100xi32, #tpu.memory_space<vmem>>
    %dma_start3A_77 = arith.constant 0 : i32
    %dma_start3A_78 = arith.constant 0 : i32
    %dma_start3A_79 = tpu.memref_slice %arg3[%add3A, %dma_start3A_72, %dma_start3A_77, %dma_start3A_78] : memref<32x100x2x100xi32, #tpu.memory_space<hbm>> -> memref<1x1x2x100xi32, #tpu.memory_space<hbm>>
    %dma_start3A_80 = tpu.memref_squeeze %dma_start3A_79 : memref<1x1x2x100xi32, #tpu.memory_space<hbm>> -> memref<2x100xi32, #tpu.memory_space<hbm>>
    %dma_start3A_81 = tpu.memref_slice %arg9[%rem3A_71] : memref<6x!tpu.dma_semaphore, #tpu.memory_space<semaphore_mem>> -> memref<1x!tpu.dma_semaphore, #tpu.memory_space<semaphore_mem>>
    %dma_start3A_82 = tpu.memref_squeeze %dma_start3A_81 : memref<1x!tpu.dma_semaphore, #tpu.memory_space<semaphore_mem>> -> memref<!tpu.dma_semaphore, #tpu.memory_space<semaphore_mem>>
    %dma_start3A_83 = arith.constant 0 : i32
    %dma_start3A_84 = arith.constant 0 : i32
    %dma_start3A_85 = tpu.memref_slice %arg7[%rem3A_71, %dma_start3A_83, %dma_start3A_84] : memref<6x2x100xi32, #tpu.memory_space<vmem>> -> memref<1x2x100xi32, #tpu.memory_space<vmem>>
    %dma_start3A_86 = tpu.memref_squeeze %dma_start3A_85 : memref<1x2x100xi32, #tpu.memory_space<vmem>> -> memref<2x100xi32, #tpu.memory_space<vmem>>
    %dma_start3A_87 = arith.constant 0 : i32
    %dma_start3A_88 = arith.constant 0 : i32
    %dma_start3A_89 = tpu.memref_slice %arg3[%add3A, %dma_start3A_72, %dma_start3A_87, %dma_start3A_88] : memref<32x100x2x100xi32, #tpu.memory_space<hbm>> -> memref<1x1x2x100xi32, #tpu.memory_space<hbm>>
    %dma_start3A_90 = tpu.memref_squeeze %dma_start3A_89 : memref<1x1x2x100xi32, #tpu.memory_space<hbm>> -> memref<2x100xi32, #tpu.memory_space<hbm>>
    tpu.enqueue_dma source(%dma_start3A_90 : memref<2x100xi32, #tpu.memory_space<hbm>>) target(%dma_start3A_86 : memref<2x100xi32, #tpu.memory_space<vmem>>) target_semaphore(%dma_start3A_82 : memref<!tpu.dma_semaphore, #tpu.memory_space<semaphore_mem>>)
    %rem3A_91 = arith.constant 0 : i32
    %rem3A_92 = arith.constant 6 : i32
    %rem3A_93 = arith.remsi %rem3A_91, %rem3A_92 : i32
    %dma_wait3A = arith.constant 0 : i32
    %dma_wait3A_94 = arith.constant 0 : i32
    %dma_wait3A_95 = arith.constant 0 : i32
    %dma_wait3A_96 = tpu.memref_slice %arg7[%rem3A_93, %dma_wait3A_94, %dma_wait3A_95] : memref<6x2x100xi32, #tpu.memory_space<vmem>> -> memref<1x2x100xi32, #tpu.memory_space<vmem>>
    %dma_wait3A_97 = tpu.memref_squeeze %dma_wait3A_96 : memref<1x2x100xi32, #tpu.memory_space<vmem>> -> memref<2x100xi32, #tpu.memory_space<vmem>>
    %dma_wait3A_98 = arith.constant 0 : i32
    %dma_wait3A_99 = arith.constant 0 : i32
    %dma_wait3A_100 = tpu.memref_slice %arg3[%add3A, %dma_wait3A, %dma_wait3A_98, %dma_wait3A_99] : memref<32x100x2x100xi32, #tpu.memory_space<hbm>> -> memref<1x1x2x100xi32, #tpu.memory_space<hbm>>
    %dma_wait3A_101 = tpu.memref_squeeze %dma_wait3A_100 : memref<1x1x2x100xi32, #tpu.memory_space<hbm>> -> memref<2x100xi32, #tpu.memory_space<hbm>>
    %dma_wait3A_102 = tpu.memref_slice %arg9[%rem3A_93] : memref<6x!tpu.dma_semaphore, #tpu.memory_space<semaphore_mem>> -> memref<1x!tpu.dma_semaphore, #tpu.memory_space<semaphore_mem>>
    %dma_wait3A_103 = tpu.memref_squeeze %dma_wait3A_102 : memref<1x!tpu.dma_semaphore, #tpu.memory_space<semaphore_mem>> -> memref<!tpu.dma_semaphore, #tpu.memory_space<semaphore_mem>>
    %dma_wait3A_104 = arith.constant 0 : i32
    %dma_wait3A_105 = arith.constant 0 : i32
    %dma_wait3A_106 = tpu.memref_slice %arg7[%rem3A_93, %dma_wait3A_104, %dma_wait3A_105] : memref<6x2x100xi32, #tpu.memory_space<vmem>> -> memref<1x2x100xi32, #tpu.memory_space<vmem>>
    %dma_wait3A_107 = tpu.memref_squeeze %dma_wait3A_106 : memref<1x2x100xi32, #tpu.memory_space<vmem>> -> memref<2x100xi32, #tpu.memory_space<vmem>>
    %dma_wait3A_108 = arith.constant 0 : i32
    %dma_wait3A_109 = arith.constant 0 : i32
    %dma_wait3A_110 = tpu.memref_slice %arg3[%add3A, %dma_wait3A, %dma_wait3A_108, %dma_wait3A_109] : memref<32x100x2x100xi32, #tpu.memory_space<hbm>> -> memref<1x1x2x100xi32, #tpu.memory_space<hbm>>
    %dma_wait3A_111 = tpu.memref_squeeze %dma_wait3A_110 : memref<1x1x2x100xi32, #tpu.memory_space<hbm>> -> memref<2x100xi32, #tpu.memory_space<hbm>>
    tpu.wait_dma2 semaphore(%dma_wait3A_103 : memref<!tpu.dma_semaphore, #tpu.memory_space<semaphore_mem>>) src(%dma_wait3A_111 : memref<2x100xi32, #tpu.memory_space<hbm>>) dst(%dma_wait3A_107 : memref<2x100xi32, #tpu.memory_space<vmem>>)
    %rem3A_112 = arith.constant 0 : i32
    %rem3A_113 = arith.constant 6 : i32
    %rem3A_114 = arith.remsi %rem3A_112, %rem3A_113 : i32
    %dma_start3A_115 = arith.constant 0 : i32
    %dma_start3A_116 = arith.constant 0 : i32
    %dma_start3A_117 = arith.constant 0 : i32
    %dma_start3A_118 = arith.constant 0 : i32
    %dma_start3A_119 = arith.constant 0 : i32
    %dma_start3A_120 = tpu.memref_slice %arg8[%dma_start3A_116, %dma_start3A_118, %dma_start3A_119] : memref<3x100x128xf32, #tpu.memory_space<vmem>> -> memref<1x100x128xf32, #tpu.memory_space<vmem>>
    %dma_start3A_121 = tpu.memref_squeeze %dma_start3A_120 : memref<1x100x128xf32, #tpu.memory_space<vmem>> -> memref<100x128xf32, #tpu.memory_space<vmem>>
    %dma_start3A_122 = arith.constant 0 : i32
    %dma_start3A_123 = tpu.memref_slice %arg7[%rem3A_114, %dma_start3A_115, %dma_start3A_122] : memref<6x2x100xi32, #tpu.memory_space<vmem>> -> memref<1x1x100xi32, #tpu.memory_space<vmem>>
    %dma_start3A_124 = tpu.memref_squeeze %dma_start3A_123 : memref<1x1x100xi32, #tpu.memory_space<vmem>> -> memref<100xi32, #tpu.memory_space<vmem>>
    %dma_start3A_125 = arith.constant 0 : i32
    %dma_start3A_126 = arith.constant 0 : i32
    %dma_start3A_127 = tpu.memref_slice %arg2[%dma_start3A_125, %dma_start3A_126] : memref<10000x128xf32, #tpu.memory_space<hbm>> -> memref<10000x128xf32, #tpu.memory_space<hbm>>
    %dma_start3A_128 = tpu.memref_slice %arg10[%dma_start3A_117] : memref<3x!tpu.dma_semaphore, #tpu.memory_space<semaphore_mem>> -> memref<1x!tpu.dma_semaphore, #tpu.memory_space<semaphore_mem>>
    %dma_start3A_129 = tpu.memref_squeeze %dma_start3A_128 : memref<1x!tpu.dma_semaphore, #tpu.memory_space<semaphore_mem>> -> memref<!tpu.dma_semaphore, #tpu.memory_space<semaphore_mem>>
    tpu.enqueue_indirect_dma source(%dma_start3A_127 : memref<10000x128xf32, #tpu.memory_space<hbm>>) target(%dma_start3A_121 : memref<100x128xf32, #tpu.memory_space<vmem>>) offsets(%dma_start3A_124 : memref<100xi32, #tpu.memory_space<vmem>>) semaphore(%dma_start3A_129 : memref<!tpu.dma_semaphore, #tpu.memory_space<semaphore_mem>>)
    %rem3A_130 = arith.constant 1 : i32
    %rem3A_131 = arith.constant 6 : i32
    %rem3A_132 = arith.remsi %rem3A_130, %rem3A_131 : i32
    %dma_wait3A_133 = arith.constant 1 : i32
    %dma_wait3A_134 = arith.constant 0 : i32
    %dma_wait3A_135 = arith.constant 0 : i32
    %dma_wait3A_136 = tpu.memref_slice %arg7[%rem3A_132, %dma_wait3A_134, %dma_wait3A_135] : memref<6x2x100xi32, #tpu.memory_space<vmem>> -> memref<1x2x100xi32, #tpu.memory_space<vmem>>
    %dma_wait3A_137 = tpu.memref_squeeze %dma_wait3A_136 : memref<1x2x100xi32, #tpu.memory_space<vmem>> -> memref<2x100xi32, #tpu.memory_space<vmem>>
    %dma_wait3A_138 = arith.constant 0 : i32
    %dma_wait3A_139 = arith.constant 0 : i32
    %dma_wait3A_140 = tpu.memref_slice %arg3[%add3A, %dma_wait3A_133, %dma_wait3A_138, %dma_wait3A_139] : memref<32x100x2x100xi32, #tpu.memory_space<hbm>> -> memref<1x1x2x100xi32, #tpu.memory_space<hbm>>
    %dma_wait3A_141 = tpu.memref_squeeze %dma_wait3A_140 : memref<1x1x2x100xi32, #tpu.memory_space<hbm>> -> memref<2x100xi32, #tpu.memory_space<hbm>>
    %dma_wait3A_142 = tpu.memref_slice %arg9[%rem3A_132] : memref<6x!tpu.dma_semaphore, #tpu.memory_space<semaphore_mem>> -> memref<1x!tpu.dma_semaphore, #tpu.memory_space<semaphore_mem>>
    %dma_wait3A_143 = tpu.memref_squeeze %dma_wait3A_142 : memref<1x!tpu.dma_semaphore, #tpu.memory_space<semaphore_mem>> -> memref<!tpu.dma_semaphore, #tpu.memory_space<semaphore_mem>>
    %dma_wait3A_144 = arith.constant 0 : i32
    %dma_wait3A_145 = arith.constant 0 : i32
    %dma_wait3A_146 = tpu.memref_slice %arg7[%rem3A_132, %dma_wait3A_144, %dma_wait3A_145] : memref<6x2x100xi32, #tpu.memory_space<vmem>> -> memref<1x2x100xi32, #tpu.memory_space<vmem>>
    %dma_wait3A_147 = tpu.memref_squeeze %dma_wait3A_146 : memref<1x2x100xi32, #tpu.memory_space<vmem>> -> memref<2x100xi32, #tpu.memory_space<vmem>>
    %dma_wait3A_148 = arith.constant 0 : i32
    %dma_wait3A_149 = arith.constant 0 : i32
    %dma_wait3A_150 = tpu.memref_slice %arg3[%add3A, %dma_wait3A_133, %dma_wait3A_148, %dma_wait3A_149] : memref<32x100x2x100xi32, #tpu.memory_space<hbm>> -> memref<1x1x2x100xi32, #tpu.memory_space<hbm>>
    %dma_wait3A_151 = tpu.memref_squeeze %dma_wait3A_150 : memref<1x1x2x100xi32, #tpu.memory_space<hbm>> -> memref<2x100xi32, #tpu.memory_space<hbm>>
    tpu.wait_dma2 semaphore(%dma_wait3A_143 : memref<!tpu.dma_semaphore, #tpu.memory_space<semaphore_mem>>) src(%dma_wait3A_151 : memref<2x100xi32, #tpu.memory_space<hbm>>) dst(%dma_wait3A_147 : memref<2x100xi32, #tpu.memory_space<vmem>>)
    %rem3A_152 = arith.constant 1 : i32
    %rem3A_153 = arith.constant 6 : i32
    %rem3A_154 = arith.remsi %rem3A_152, %rem3A_153 : i32
    %dma_start3A_155 = arith.constant 0 : i32
    %dma_start3A_156 = arith.constant 1 : i32
    %dma_start3A_157 = arith.constant 1 : i32
    %dma_start3A_158 = arith.constant 0 : i32
    %dma_start3A_159 = arith.constant 0 : i32
    %dma_start3A_160 = tpu.memref_slice %arg8[%dma_start3A_156, %dma_start3A_158, %dma_start3A_159] : memref<3x100x128xf32, #tpu.memory_space<vmem>> -> memref<1x100x128xf32, #tpu.memory_space<vmem>>
    %dma_start3A_161 = tpu.memref_squeeze %dma_start3A_160 : memref<1x100x128xf32, #tpu.memory_space<vmem>> -> memref<100x128xf32, #tpu.memory_space<vmem>>
    %dma_start3A_162 = arith.constant 0 : i32
    %dma_start3A_163 = tpu.memref_slice %arg7[%rem3A_154, %dma_start3A_155, %dma_start3A_162] : memref<6x2x100xi32, #tpu.memory_space<vmem>> -> memref<1x1x100xi32, #tpu.memory_space<vmem>>
    %dma_start3A_164 = tpu.memref_squeeze %dma_start3A_163 : memref<1x1x100xi32, #tpu.memory_space<vmem>> -> memref<100xi32, #tpu.memory_space<vmem>>
    %dma_start3A_165 = arith.constant 0 : i32
    %dma_start3A_166 = arith.constant 0 : i32
    %dma_start3A_167 = tpu.memref_slice %arg2[%dma_start3A_165, %dma_start3A_166] : memref<10000x128xf32, #tpu.memory_space<hbm>> -> memref<10000x128xf32, #tpu.memory_space<hbm>>
    %dma_start3A_168 = tpu.memref_slice %arg10[%dma_start3A_157] : memref<3x!tpu.dma_semaphore, #tpu.memory_space<semaphore_mem>> -> memref<1x!tpu.dma_semaphore, #tpu.memory_space<semaphore_mem>>
    %dma_start3A_169 = tpu.memref_squeeze %dma_start3A_168 : memref<1x!tpu.dma_semaphore, #tpu.memory_space<semaphore_mem>> -> memref<!tpu.dma_semaphore, #tpu.memory_space<semaphore_mem>>
    tpu.enqueue_indirect_dma source(%dma_start3A_167 : memref<10000x128xf32, #tpu.memory_space<hbm>>) target(%dma_start3A_161 : memref<100x128xf32, #tpu.memory_space<vmem>>) offsets(%dma_start3A_164 : memref<100xi32, #tpu.memory_space<vmem>>) semaphore(%dma_start3A_169 : memref<!tpu.dma_semaphore, #tpu.memory_space<semaphore_mem>>)
    %dma_wait3A_170 = arith.constant 0 : i32
    %dma_wait3A_171 = tpu.memref_slice %arg6[%mul3A_2, %dma_wait3A_170] : memref<10112x128xf32, #tpu.memory_space<vmem_shared>> -> memref<632x128xf32, #tpu.memory_space<vmem_shared>>
    tpu.wait_dma2 semaphore(%arg12 : memref<!tpu.dma_semaphore, #tpu.memory_space<semaphore_mem>>) src(%arg4 : memref<632x128xf32, #tpu.memory_space<hbm>>) dst(%dma_wait3A_171 : memref<632x128xf32, #tpu.memory_space<vmem_shared>>)
    %barrier3A = arith.constant 0 : index
    tpu.barrier barrier_id(%barrier3A)
    %scan3A = arith.constant 0 : i32
    %scan3A_172 = arith.constant 0 : i32
    %scan3A_173 = arith.constant 100 : i32
    %scan3A_174 = arith.addi %scan3A_172, %scan3A_173 : i32
    %scan3A_175 = arith.constant 1 : i32
    scf.for %scan3A_200 = %scan3A_172 to %scan3A_174 step %scan3A_175  : i32 {
      %rem3A_201 = arith.constant 3 : i32
      %rem3A_202 = arith.remsi %scan3A_200, %rem3A_201 : i32
      %add3A_203 = arith.constant 3 : i32
      %add3A_204 = arith.addi %scan3A_200, %add3A_203 : i32
      %sub3A = arith.constant 1 : i32
      %sub3A_205 = arith.subi %add3A_204, %sub3A : i32
      %rem3A_206 = arith.constant 3 : i32
      %rem3A_207 = arith.remsi %sub3A_205, %rem3A_206 : i32
      %rem3A_208 = arith.constant 6 : i32
      %rem3A_209 = arith.remsi %scan3A_200, %rem3A_208 : i32
      %dma_wait3A_210 = arith.constant 0 : i32
      %dma_wait3A_211 = arith.constant 0 : i32
      %dma_wait3A_212 = arith.constant 0 : i32
      %dma_wait3A_213 = tpu.memref_slice %arg8[%rem3A_202, %dma_wait3A_211, %dma_wait3A_212] : memref<3x100x128xf32, #tpu.memory_space<vmem>> -> memref<1x100x128xf32, #tpu.memory_space<vmem>>
      %dma_wait3A_214 = tpu.memref_squeeze %dma_wait3A_213 : memref<1x100x128xf32, #tpu.memory_space<vmem>> -> memref<100x128xf32, #tpu.memory_space<vmem>>
      %dma_wait3A_215 = arith.constant 0 : i32
      %dma_wait3A_216 = tpu.memref_slice %arg7[%rem3A_209, %dma_wait3A_210, %dma_wait3A_215] : memref<6x2x100xi32, #tpu.memory_space<vmem>> -> memref<1x1x100xi32, #tpu.memory_space<vmem>>
      %dma_wait3A_217 = tpu.memref_squeeze %dma_wait3A_216 : memref<1x1x100xi32, #tpu.memory_space<vmem>> -> memref<100xi32, #tpu.memory_space<vmem>>
      %dma_wait3A_218 = arith.constant 0 : i32
      %dma_wait3A_219 = arith.constant 0 : i32
      %dma_wait3A_220 = tpu.memref_slice %arg2[%dma_wait3A_218, %dma_wait3A_219] : memref<10000x128xf32, #tpu.memory_space<hbm>> -> memref<10000x128xf32, #tpu.memory_space<hbm>>
      %dma_wait3A_221 = tpu.memref_slice %arg10[%rem3A_202] : memref<3x!tpu.dma_semaphore, #tpu.memory_space<semaphore_mem>> -> memref<1x!tpu.dma_semaphore, #tpu.memory_space<semaphore_mem>>
      %dma_wait3A_222 = tpu.memref_squeeze %dma_wait3A_221 : memref<1x!tpu.dma_semaphore, #tpu.memory_space<semaphore_mem>> -> memref<!tpu.dma_semaphore, #tpu.memory_space<semaphore_mem>>
      tpu.wait_indirect_dma semaphore(%dma_wait3A_222 : memref<!tpu.dma_semaphore, #tpu.memory_space<semaphore_mem>>) src(%dma_wait3A_220 : memref<10000x128xf32, #tpu.memory_space<hbm>>) dst(%dma_wait3A_214 : memref<100x128xf32, #tpu.memory_space<vmem>>)
      %rem3A_223 = arith.constant 6 : i32
      %rem3A_224 = arith.remsi %scan3A_200, %rem3A_223 : i32
      %dma_start3A_225 = arith.constant 1 : i32
      %dma_start3A_226 = arith.constant 0 : i32
      %dma_start3A_227 = arith.constant 0 : i32
      %dma_start3A_228 = tpu.memref_slice %arg8[%rem3A_202, %dma_start3A_226, %dma_start3A_227] : memref<3x100x128xf32, #tpu.memory_space<vmem>> -> memref<1x100x128xf32, #tpu.memory_space<vmem>>
      %dma_start3A_229 = tpu.memref_squeeze %dma_start3A_228 : memref<1x100x128xf32, #tpu.memory_space<vmem>> -> memref<100x128xf32, #tpu.memory_space<vmem>>
      %dma_start3A_230 = arith.constant 0 : i32
      %dma_start3A_231 = tpu.memref_slice %arg7[%rem3A_224, %dma_start3A_225, %dma_start3A_230] : memref<6x2x100xi32, #tpu.memory_space<vmem>> -> memref<1x1x100xi32, #tpu.memory_space<vmem>>
      %dma_start3A_232 = tpu.memref_squeeze %dma_start3A_231 : memref<1x1x100xi32, #tpu.memory_space<vmem>> -> memref<100xi32, #tpu.memory_space<vmem>>
      %dma_start3A_233 = arith.constant 0 : i32
      %dma_start3A_234 = arith.constant 0 : i32
      %dma_start3A_235 = tpu.memref_slice %arg6[%dma_start3A_233, %dma_start3A_234] : memref<10112x128xf32, #tpu.memory_space<vmem_shared>> -> memref<10112x128xf32, #tpu.memory_space<vmem_shared>>
      %dma_start3A_236 = tpu.memref_slice %arg11[%rem3A_202] : memref<3x!tpu.dma_semaphore, #tpu.memory_space<semaphore_mem>> -> memref<1x!tpu.dma_semaphore, #tpu.memory_space<semaphore_mem>>
      %dma_start3A_237 = tpu.memref_squeeze %dma_start3A_236 : memref<1x!tpu.dma_semaphore, #tpu.memory_space<semaphore_mem>> -> memref<!tpu.dma_semaphore, #tpu.memory_space<semaphore_mem>>
      tpu.enqueue_indirect_dma source(%dma_start3A_229 : memref<100x128xf32, #tpu.memory_space<vmem>>) target(%dma_start3A_235 : memref<10112x128xf32, #tpu.memory_space<vmem_shared>>) offsets(%dma_start3A_232 : memref<100xi32, #tpu.memory_space<vmem>>) semaphore(%dma_start3A_237 : memref<!tpu.dma_semaphore, #tpu.memory_space<semaphore_mem>>) {add = true}
      %gt3A = arith.constant 0 : i32
      %gt3A_238 = arith.cmpi sgt, %scan3A_200, %gt3A : i32
      %convert_element_type3A = arith.extui %gt3A_238 : i1 to i32
      %cond3A = arith.constant 0 : i32
      %cond3A_239 = arith.cmpi ne, %convert_element_type3A, %cond3A : i32
      scf.if %cond3A_239 {
        %sub3A_253 = arith.constant 1 : i32
        %sub3A_254 = arith.subi %scan3A_200, %sub3A_253 : i32
        %rem3A_255 = arith.constant 6 : i32
        %rem3A_256 = arith.remsi %sub3A_254, %rem3A_255 : i32
        %dma_wait3A_257 = arith.constant 1 : i32
        %dma_wait3A_258 = arith.constant 0 : i32
        %dma_wait3A_259 = arith.constant 0 : i32
        %dma_wait3A_260 = tpu.memref_slice %arg8[%rem3A_207, %dma_wait3A_258, %dma_wait3A_259] : memref<3x100x128xf32, #tpu.memory_space<vmem>> -> memref<1x100x128xf32, #tpu.memory_space<vmem>>
        %dma_wait3A_261 = tpu.memref_squeeze %dma_wait3A_260 : memref<1x100x128xf32, #tpu.memory_space<vmem>> -> memref<100x128xf32, #tpu.memory_space<vmem>>
        %dma_wait3A_262 = arith.constant 0 : i32
        %dma_wait3A_263 = tpu.memref_slice %arg7[%rem3A_256, %dma_wait3A_257, %dma_wait3A_262] : memref<6x2x100xi32, #tpu.memory_space<vmem>> -> memref<1x1x100xi32, #tpu.memory_space<vmem>>
        %dma_wait3A_264 = tpu.memref_squeeze %dma_wait3A_263 : memref<1x1x100xi32, #tpu.memory_space<vmem>> -> memref<100xi32, #tpu.memory_space<vmem>>
        %dma_wait3A_265 = arith.constant 0 : i32
        %dma_wait3A_266 = arith.constant 0 : i32
        %dma_wait3A_267 = tpu.memref_slice %arg6[%dma_wait3A_265, %dma_wait3A_266] : memref<10112x128xf32, #tpu.memory_space<vmem_shared>> -> memref<10112x128xf32, #tpu.memory_space<vmem_shared>>
        %dma_wait3A_268 = tpu.memref_slice %arg11[%rem3A_207] : memref<3x!tpu.dma_semaphore, #tpu.memory_space<semaphore_mem>> -> memref<1x!tpu.dma_semaphore, #tpu.memory_space<semaphore_mem>>
        %dma_wait3A_269 = tpu.memref_squeeze %dma_wait3A_268 : memref<1x!tpu.dma_semaphore, #tpu.memory_space<semaphore_mem>> -> memref<!tpu.dma_semaphore, #tpu.memory_space<semaphore_mem>>
        tpu.wait_indirect_dma semaphore(%dma_wait3A_269 : memref<!tpu.dma_semaphore, #tpu.memory_space<semaphore_mem>>) src(%dma_wait3A_261 : memref<100x128xf32, #tpu.memory_space<vmem>>) dst(%dma_wait3A_267 : memref<10112x128xf32, #tpu.memory_space<vmem_shared>>)
      } else {
      }
      %add3A_240 = arith.constant 2 : i32
      %add3A_241 = arith.addi %scan3A_200, %add3A_240 : i32
      %lt3A = arith.constant 100 : i32
      %lt3A_242 = arith.cmpi slt, %add3A_241, %lt3A : i32
      %convert_element_type3A_243 = arith.extui %lt3A_242 : i1 to i32
      %cond3A_244 = arith.constant 0 : i32
      %cond3A_245 = arith.cmpi ne, %convert_element_type3A_243, %cond3A_244 : i32
      scf.if %cond3A_245 {
        %add3A_253 = arith.constant 2 : i32
        %add3A_254 = arith.addi %scan3A_200, %add3A_253 : i32
        %rem3A_255 = arith.constant 6 : i32
        %rem3A_256 = arith.remsi %add3A_254, %rem3A_255 : i32
        %dma_wait3A_257 = arith.constant 0 : i32
        %dma_wait3A_258 = arith.constant 0 : i32
        %dma_wait3A_259 = tpu.memref_slice %arg7[%rem3A_256, %dma_wait3A_257, %dma_wait3A_258] : memref<6x2x100xi32, #tpu.memory_space<vmem>> -> memref<1x2x100xi32, #tpu.memory_space<vmem>>
        %dma_wait3A_260 = tpu.memref_squeeze %dma_wait3A_259 : memref<1x2x100xi32, #tpu.memory_space<vmem>> -> memref<2x100xi32, #tpu.memory_space<vmem>>
        %dma_wait3A_261 = arith.constant 0 : i32
        %dma_wait3A_262 = arith.constant 0 : i32
        %dma_wait3A_263 = tpu.memref_slice %arg3[%add3A, %add3A_254, %dma_wait3A_261, %dma_wait3A_262] : memref<32x100x2x100xi32, #tpu.memory_space<hbm>> -> memref<1x1x2x100xi32, #tpu.memory_space<hbm>>
        %dma_wait3A_264 = tpu.memref_squeeze %dma_wait3A_263 : memref<1x1x2x100xi32, #tpu.memory_space<hbm>> -> memref<2x100xi32, #tpu.memory_space<hbm>>
        %dma_wait3A_265 = tpu.memref_slice %arg9[%rem3A_256] : memref<6x!tpu.dma_semaphore, #tpu.memory_space<semaphore_mem>> -> memref<1x!tpu.dma_semaphore, #tpu.memory_space<semaphore_mem>>
        %dma_wait3A_266 = tpu.memref_squeeze %dma_wait3A_265 : memref<1x!tpu.dma_semaphore, #tpu.memory_space<semaphore_mem>> -> memref<!tpu.dma_semaphore, #tpu.memory_space<semaphore_mem>>
        %dma_wait3A_267 = arith.constant 0 : i32
        %dma_wait3A_268 = arith.constant 0 : i32
        %dma_wait3A_269 = tpu.memref_slice %arg7[%rem3A_256, %dma_wait3A_267, %dma_wait3A_268] : memref<6x2x100xi32, #tpu.memory_space<vmem>> -> memref<1x2x100xi32, #tpu.memory_space<vmem>>
        %dma_wait3A_270 = tpu.memref_squeeze %dma_wait3A_269 : memref<1x2x100xi32, #tpu.memory_space<vmem>> -> memref<2x100xi32, #tpu.memory_space<vmem>>
        %dma_wait3A_271 = arith.constant 0 : i32
        %dma_wait3A_272 = arith.constant 0 : i32
        %dma_wait3A_273 = tpu.memref_slice %arg3[%add3A, %add3A_254, %dma_wait3A_271, %dma_wait3A_272] : memref<32x100x2x100xi32, #tpu.memory_space<hbm>> -> memref<1x1x2x100xi32, #tpu.memory_space<hbm>>
        %dma_wait3A_274 = tpu.memref_squeeze %dma_wait3A_273 : memref<1x1x2x100xi32, #tpu.memory_space<hbm>> -> memref<2x100xi32, #tpu.memory_space<hbm>>
        tpu.wait_dma2 semaphore(%dma_wait3A_266 : memref<!tpu.dma_semaphore, #tpu.memory_space<semaphore_mem>>) src(%dma_wait3A_274 : memref<2x100xi32, #tpu.memory_space<hbm>>) dst(%dma_wait3A_270 : memref<2x100xi32, #tpu.memory_space<vmem>>)
        %add3A_275 = arith.constant 2 : i32
        %add3A_276 = arith.addi %scan3A_200, %add3A_275 : i32
        %rem3A_277 = arith.constant 6 : i32
        %rem3A_278 = arith.remsi %add3A_276, %rem3A_277 : i32
        %dma_start3A_279 = arith.constant 0 : i32
        %dma_start3A_280 = arith.constant 0 : i32
        %dma_start3A_281 = arith.constant 0 : i32
        %dma_start3A_282 = tpu.memref_slice %arg8[%rem3A_207, %dma_start3A_280, %dma_start3A_281] : memref<3x100x128xf32, #tpu.memory_space<vmem>> -> memref<1x100x128xf32, #tpu.memory_space<vmem>>
        %dma_start3A_283 = tpu.memref_squeeze %dma_start3A_282 : memref<1x100x128xf32, #tpu.memory_space<vmem>> -> memref<100x128xf32, #tpu.memory_space<vmem>>
        %dma_start3A_284 = arith.constant 0 : i32
        %dma_start3A_285 = tpu.memref_slice %arg7[%rem3A_278, %dma_start3A_279, %dma_start3A_284] : memref<6x2x100xi32, #tpu.memory_space<vmem>> -> memref<1x1x100xi32, #tpu.memory_space<vmem>>
        %dma_start3A_286 = tpu.memref_squeeze %dma_start3A_285 : memref<1x1x100xi32, #tpu.memory_space<vmem>> -> memref<100xi32, #tpu.memory_space<vmem>>
        %dma_start3A_287 = arith.constant 0 : i32
        %dma_start3A_288 = arith.constant 0 : i32
        %dma_start3A_289 = tpu.memref_slice %arg2[%dma_start3A_287, %dma_start3A_288] : memref<10000x128xf32, #tpu.memory_space<hbm>> -> memref<10000x128xf32, #tpu.memory_space<hbm>>
        %dma_start3A_290 = tpu.memref_slice %arg10[%rem3A_207] : memref<3x!tpu.dma_semaphore, #tpu.memory_space<semaphore_mem>> -> memref<1x!tpu.dma_semaphore, #tpu.memory_space<semaphore_mem>>
        %dma_start3A_291 = tpu.memref_squeeze %dma_start3A_290 : memref<1x!tpu.dma_semaphore, #tpu.memory_space<semaphore_mem>> -> memref<!tpu.dma_semaphore, #tpu.memory_space<semaphore_mem>>
        tpu.enqueue_indirect_dma source(%dma_start3A_289 : memref<10000x128xf32, #tpu.memory_space<hbm>>) target(%dma_start3A_283 : memref<100x128xf32, #tpu.memory_space<vmem>>) offsets(%dma_start3A_286 : memref<100xi32, #tpu.memory_space<vmem>>) semaphore(%dma_start3A_291 : memref<!tpu.dma_semaphore, #tpu.memory_space<semaphore_mem>>)
      } else {
      }
      %add3A_246 = arith.constant 4 : i32
      %add3A_247 = arith.addi %scan3A_200, %add3A_246 : i32
      %lt3A_248 = arith.constant 100 : i32
      %lt3A_249 = arith.cmpi slt, %add3A_247, %lt3A_248 : i32
      %convert_element_type3A_250 = arith.extui %lt3A_249 : i1 to i32
      %cond3A_251 = arith.constant 0 : i32
      %cond3A_252 = arith.cmpi ne, %convert_element_type3A_250, %cond3A_251 : i32
      scf.if %cond3A_252 {
        %add3A_253 = arith.constant 4 : i32
        %add3A_254 = arith.addi %scan3A_200, %add3A_253 : i32
        %rem3A_255 = arith.constant 6 : i32
        %rem3A_256 = arith.remsi %add3A_254, %rem3A_255 : i32
        %dma_start3A_257 = arith.constant 0 : i32
        %dma_start3A_258 = arith.constant 0 : i32
        %dma_start3A_259 = tpu.memref_slice %arg7[%rem3A_256, %dma_start3A_257, %dma_start3A_258] : memref<6x2x100xi32, #tpu.memory_space<vmem>> -> memref<1x2x100xi32, #tpu.memory_space<vmem>>
        %dma_start3A_260 = tpu.memref_squeeze %dma_start3A_259 : memref<1x2x100xi32, #tpu.memory_space<vmem>> -> memref<2x100xi32, #tpu.memory_space<vmem>>
        %dma_start3A_261 = arith.constant 0 : i32
        %dma_start3A_262 = arith.constant 0 : i32
        %dma_start3A_263 = tpu.memref_slice %arg3[%add3A, %add3A_254, %dma_start3A_261, %dma_start3A_262] : memref<32x100x2x100xi32, #tpu.memory_space<hbm>> -> memref<1x1x2x100xi32, #tpu.memory_space<hbm>>
        %dma_start3A_264 = tpu.memref_squeeze %dma_start3A_263 : memref<1x1x2x100xi32, #tpu.memory_space<hbm>> -> memref<2x100xi32, #tpu.memory_space<hbm>>
        %dma_start3A_265 = tpu.memref_slice %arg9[%rem3A_256] : memref<6x!tpu.dma_semaphore, #tpu.memory_space<semaphore_mem>> -> memref<1x!tpu.dma_semaphore, #tpu.memory_space<semaphore_mem>>
        %dma_start3A_266 = tpu.memref_squeeze %dma_start3A_265 : memref<1x!tpu.dma_semaphore, #tpu.memory_space<semaphore_mem>> -> memref<!tpu.dma_semaphore, #tpu.memory_space<semaphore_mem>>
        %dma_start3A_267 = arith.constant 0 : i32
        %dma_start3A_268 = arith.constant 0 : i32
        %dma_start3A_269 = tpu.memref_slice %arg7[%rem3A_256, %dma_start3A_267, %dma_start3A_268] : memref<6x2x100xi32, #tpu.memory_space<vmem>> -> memref<1x2x100xi32, #tpu.memory_space<vmem>>
        %dma_start3A_270 = tpu.memref_squeeze %dma_start3A_269 : memref<1x2x100xi32, #tpu.memory_space<vmem>> -> memref<2x100xi32, #tpu.memory_space<vmem>>
        %dma_start3A_271 = arith.constant 0 : i32
        %dma_start3A_272 = arith.constant 0 : i32
        %dma_start3A_273 = tpu.memref_slice %arg3[%add3A, %add3A_254, %dma_start3A_271, %dma_start3A_272] : memref<32x100x2x100xi32, #tpu.memory_space<hbm>> -> memref<1x1x2x100xi32, #tpu.memory_space<hbm>>
        %dma_start3A_274 = tpu.memref_squeeze %dma_start3A_273 : memref<1x1x2x100xi32, #tpu.memory_space<hbm>> -> memref<2x100xi32, #tpu.memory_space<hbm>>
        tpu.enqueue_dma source(%dma_start3A_274 : memref<2x100xi32, #tpu.memory_space<hbm>>) target(%dma_start3A_270 : memref<2x100xi32, #tpu.memory_space<vmem>>) target_semaphore(%dma_start3A_266 : memref<!tpu.dma_semaphore, #tpu.memory_space<semaphore_mem>>)
      } else {
      }
    }
    %scan3A_176 = arith.constant 100 : i32
    %rem3A_177 = arith.constant 99 : i32
    %rem3A_178 = arith.constant 6 : i32
    %rem3A_179 = arith.remsi %rem3A_177, %rem3A_178 : i32
    %dma_wait3A_180 = arith.constant 0 : i32
    %dma_wait3A_181 = arith.constant 1 : i32
    %dma_wait3A_182 = arith.constant 0 : i32
    %dma_wait3A_183 = arith.constant 0 : i32
    %dma_wait3A_184 = arith.constant 0 : i32
    %dma_wait3A_185 = tpu.memref_slice %arg8[%dma_wait3A_180, %dma_wait3A_183, %dma_wait3A_184] : memref<3x100x128xf32, #tpu.memory_space<vmem>> -> memref<1x100x128xf32, #tpu.memory_space<vmem>>
    %dma_wait3A_186 = tpu.memref_squeeze %dma_wait3A_185 : memref<1x100x128xf32, #tpu.memory_space<vmem>> -> memref<100x128xf32, #tpu.memory_space<vmem>>
    %dma_wait3A_187 = arith.constant 0 : i32
    %dma_wait3A_188 = tpu.memref_slice %arg7[%rem3A_179, %dma_wait3A_181, %dma_wait3A_187] : memref<6x2x100xi32, #tpu.memory_space<vmem>> -> memref<1x1x100xi32, #tpu.memory_space<vmem>>
    %dma_wait3A_189 = tpu.memref_squeeze %dma_wait3A_188 : memref<1x1x100xi32, #tpu.memory_space<vmem>> -> memref<100xi32, #tpu.memory_space<vmem>>
    %dma_wait3A_190 = arith.constant 0 : i32
    %dma_wait3A_191 = arith.constant 0 : i32
    %dma_wait3A_192 = tpu.memref_slice %arg6[%dma_wait3A_190, %dma_wait3A_191] : memref<10112x128xf32, #tpu.memory_space<vmem_shared>> -> memref<10112x128xf32, #tpu.memory_space<vmem_shared>>
    %dma_wait3A_193 = tpu.memref_slice %arg11[%dma_wait3A_182] : memref<3x!tpu.dma_semaphore, #tpu.memory_space<semaphore_mem>> -> memref<1x!tpu.dma_semaphore, #tpu.memory_space<semaphore_mem>>
    %dma_wait3A_194 = tpu.memref_squeeze %dma_wait3A_193 : memref<1x!tpu.dma_semaphore, #tpu.memory_space<semaphore_mem>> -> memref<!tpu.dma_semaphore, #tpu.memory_space<semaphore_mem>>
    tpu.wait_indirect_dma semaphore(%dma_wait3A_194 : memref<!tpu.dma_semaphore, #tpu.memory_space<semaphore_mem>>) src(%dma_wait3A_186 : memref<100x128xf32, #tpu.memory_space<vmem>>) dst(%dma_wait3A_192 : memref<10112x128xf32, #tpu.memory_space<vmem_shared>>)
    %barrier3A_195 = arith.constant 0 : index
    tpu.barrier barrier_id(%barrier3A_195)
    %mul3A_196 = arith.constant 632 : i32
    %mul3A_197 = arith.muli %arg1, %mul3A_196 : i32
    %mul3A_198 = arith.constant 632 : i32
    %mul3A_199 = arith.muli %arg1, %mul3A_198 : i32
    "tpu.region"() ({
      %run_scoped3A = tpu.sem_alloc : memref<!tpu.dma_semaphore, #tpu.memory_space<semaphore_mem>>
      %dma_start3A_200 = arith.constant 0 : i32
      %dma_start3A_201 = tpu.memref_slice %arg5[%arg0, %mul3A_199, %dma_start3A_200] : memref<2x10112x128xf32, #tpu.memory_space<hbm>> -> memref<1x632x128xf32, #tpu.memory_space<hbm>>
      %dma_start3A_202 = tpu.memref_squeeze %dma_start3A_201 : memref<1x632x128xf32, #tpu.memory_space<hbm>> -> memref<632x128xf32, #tpu.memory_space<hbm>>
      %dma_start3A_203 = arith.constant 0 : i32
      %dma_start3A_204 = tpu.memref_slice %arg6[%mul3A_197, %dma_start3A_203] : memref<10112x128xf32, #tpu.memory_space<vmem_shared>> -> memref<632x128xf32, #tpu.memory_space<vmem_shared>>
      tpu.enqueue_dma source(%dma_start3A_204 : memref<632x128xf32, #tpu.memory_space<vmem_shared>>) target(%dma_start3A_202 : memref<632x128xf32, #tpu.memory_space<hbm>>) target_semaphore(%run_scoped3A : memref<!tpu.dma_semaphore, #tpu.memory_space<semaphore_mem>>)
      %dma_wait3A_205 = arith.constant 0 : i32
      %dma_wait3A_206 = tpu.memref_slice %arg5[%arg0, %mul3A_199, %dma_wait3A_205] : memref<2x10112x128xf32, #tpu.memory_space<hbm>> -> memref<1x632x128xf32, #tpu.memory_space<hbm>>
      %dma_wait3A_207 = tpu.memref_squeeze %dma_wait3A_206 : memref<1x632x128xf32, #tpu.memory_space<hbm>> -> memref<632x128xf32, #tpu.memory_space<hbm>>
      %dma_wait3A_208 = arith.constant 0 : i32
      %dma_wait3A_209 = tpu.memref_slice %arg6[%mul3A_197, %dma_wait3A_208] : memref<10112x128xf32, #tpu.memory_space<vmem_shared>> -> memref<632x128xf32, #tpu.memory_space<vmem_shared>>
      tpu.wait_dma2 semaphore(%run_scoped3A : memref<!tpu.dma_semaphore, #tpu.memory_space<semaphore_mem>>) src(%dma_wait3A_209 : memref<632x128xf32, #tpu.memory_space<vmem_shared>>) dst(%dma_wait3A_207 : memref<632x128xf32, #tpu.memory_space<hbm>>)
      tpu.yield
    }) : () -> ()
    return
  }
}

module attributes {stable_mosaic.version = 14 : i64} {
  func.func @_mm_scale_body(%arg0: i32, %arg1: memref<1280x128xf32, #tpu.memory_space<vmem>>, %arg2: memref<128x128xf32, #tpu.memory_space<vmem>>, %arg3: memref<32x1x10240xf32, #tpu.memory_space<vmem>>, %arg4: memref<1280x128xf32, #tpu.memory_space<vmem>>) attributes {dimension_semantics = [#tpu.dimension_semantics<arbitrary>], iteration_bounds = array<i64: 8>, scalar_prefetch = 0 : i64, scratch_operands = 0 : i64, tpu.core_type = #tpu.core_type<tc>, window_params = [{transform_indices = @transform_0, window_bounds = array<i64: 1280, 128>}, {pipeline_mode = #tpu.pipeline_mode<synchronous>, transform_indices = @transform_1, window_bounds = array<i64: 128, 128>}, {pipeline_mode = #tpu.pipeline_mode<synchronous>, transform_indices = @transform_2, window_bounds = array<i64: 32, 1, 10240>}, {transform_indices = @transform_3, window_bounds = array<i64: 1280, 128>}]} {
    %mul3A = arith.constant 1280 : i32
    %mul3A_0 = arith.muli %arg0, %mul3A : i32
    %get3A = arith.constant 0 : index
    %get3A_1 = arith.constant 0 : index
    %get3A_2 = arith.index_cast %mul3A_0 : i32 to index
    %get3A_3 = vector.load %arg3[%get3A, %get3A_1, %get3A_2] : memref<32x1x10240xf32, #tpu.memory_space<vmem>>, vector<32x1x1280xf32>
    %get3A_4 = vector.shape_cast %get3A_3 : vector<32x1x1280xf32> to vector<32x1280xf32>
    %reduce_sum3A = arith.constant dense<0.000000e+00> : vector<1280xf32>
    %reduce_sum3A_5 = vector.multi_reduction <add>, %get3A_4, %reduce_sum3A [0] : vector<32x1280xf32> to vector<1280xf32>
    %max3A = arith.constant 1.000000e+00 : f32
    %max3A_6 = vector.broadcast %max3A : f32 to vector<1280xf32>
    %max3A_7 = arith.maximumf %reduce_sum3A_5, %max3A_6 : vector<1280xf32>
    %rsqrt3A = math.rsqrt %max3A_7 : vector<1280xf32>
    %get3A_8 = arith.constant 0 : index
    %get3A_9 = arith.constant 0 : index
    %get3A_10 = vector.load %arg1[%get3A_8, %get3A_9] : memref<1280x128xf32, #tpu.memory_space<vmem>>, vector<1280x128xf32>
    %get3A_11 = arith.constant 0 : index
    %get3A_12 = arith.constant 0 : index
    %get3A_13 = vector.load %arg2[%get3A_11, %get3A_12] : memref<128x128xf32, #tpu.memory_space<vmem>>, vector<128x128xf32>
    %dot_general3A = arith.constant dense<0.000000e+00> : vector<1280x128xf32>
    %dot_general3A_14 = tpu.matmul %get3A_10, %get3A_13, %dot_general3A {dimension_numbers = #tpu.dot_dimension_numbers<[1], [0], [0], [1], [0, 0, 1, 1], [], []>, transpose_lhs_hint = false} : vector<1280x128xf32>, vector<128x128xf32>, vector<1280x128xf32> -> vector<1280x128xf32>
    %broadcast_in_dim3A = vector.shape_cast %rsqrt3A : vector<1280xf32> to vector<1280x1xf32>
    %mul3A_15 = vector.broadcast %broadcast_in_dim3A : vector<1280x1xf32> to vector<1280x128xf32>
    %mul3A_16 = arith.mulf %dot_general3A_14, %mul3A_15 : vector<1280x128xf32>
    %swap3A = arith.constant 0 : index
    %swap3A_17 = arith.constant 0 : index
    %swap3A_18 = vector.load %arg4[%swap3A, %swap3A_17] : memref<1280x128xf32, #tpu.memory_space<vmem>>, vector<1280x128xf32>
    tpu.vector_store %arg4[%swap3A, %swap3A_17], %mul3A_16 {strides = array<i32>} : memref<1280x128xf32, #tpu.memory_space<vmem>>, vector<1280x128xf32>,
    return
  }
  func.func @transform_0(%arg0: i32) -> (i32, i32) {
    %c0_i32 = arith.constant 0 : i32
    %c0_i32_0 = arith.constant 0 : i32
    return %arg0, %c0_i32 : i32, i32
  }
  func.func @transform_1(%arg0: i32) -> (i32, i32) {
    %c0_i32 = arith.constant 0 : i32
    %c0_i32_0 = arith.constant 0 : i32
    %c0_i32_1 = arith.constant 0 : i32
    return %c0_i32, %c0_i32_0 : i32, i32
  }
  func.func @transform_2(%arg0: i32) -> (i32, i32, i32) {
    %c0_i32 = arith.constant 0 : i32
    %c0_i32_0 = arith.constant 0 : i32
    %c0_i32_1 = arith.constant 0 : i32
    %c0_i32_2 = arith.constant 0 : i32
    return %c0_i32, %c0_i32_0, %c0_i32_1 : i32, i32, i32
  }
  func.func @transform_3(%arg0: i32) -> (i32, i32) {
    %c0_i32 = arith.constant 0 : i32
    %c0_i32_0 = arith.constant 0 : i32
    return %arg0, %c0_i32 : i32, i32
  }
}

module attributes {stable_mosaic.version = 14 : i64} {
  func.func @_mid_body(%arg0: i32, %arg1: memref<2x1280x128xf32, #tpu.memory_space<vmem>>, %arg2: memref<32x1x10240xf32, #tpu.memory_space<vmem>>, %arg3: memref<1x128xf32, #tpu.memory_space<vmem>>, %arg4: memref<128x128xf32, #tpu.memory_space<vmem>>, %arg5: memref<1280x128xf32, #tpu.memory_space<vmem>>) attributes {dimension_semantics = [#tpu.dimension_semantics<arbitrary>], iteration_bounds = array<i64: 8>, scalar_prefetch = 0 : i64, scratch_operands = 0 : i64, tpu.core_type = #tpu.core_type<tc>, window_params = [{transform_indices = @transform_0, window_bounds = array<i64: 2, 1280, 128>}, {pipeline_mode = #tpu.pipeline_mode<synchronous>, transform_indices = @transform_1, window_bounds = array<i64: 32, 1, 10240>}, {pipeline_mode = #tpu.pipeline_mode<synchronous>, transform_indices = @transform_2, window_bounds = array<i64: 1, 128>}, {pipeline_mode = #tpu.pipeline_mode<synchronous>, transform_indices = @transform_3, window_bounds = array<i64: 128, 128>}, {transform_indices = @transform_4, window_bounds = array<i64: 1280, 128>}]} {
    %mul3A = arith.constant 1280 : i32
    %mul3A_0 = arith.muli %arg0, %mul3A : i32
    %get3A = arith.constant 0 : index
    %get3A_1 = arith.constant 0 : index
    %get3A_2 = arith.index_cast %mul3A_0 : i32 to index
    %get3A_3 = vector.load %arg2[%get3A, %get3A_1, %get3A_2] : memref<32x1x10240xf32, #tpu.memory_space<vmem>>, vector<32x1x1280xf32>
    %get3A_4 = vector.shape_cast %get3A_3 : vector<32x1x1280xf32> to vector<32x1280xf32>
    %reduce_sum3A = arith.constant dense<0.000000e+00> : vector<1280xf32>
    %reduce_sum3A_5 = vector.multi_reduction <add>, %get3A_4, %reduce_sum3A [0] : vector<32x1280xf32> to vector<1280xf32>
    %max3A = arith.constant 1.000000e+00 : f32
    %max3A_6 = vector.broadcast %max3A : f32 to vector<1280xf32>
    %max3A_7 = arith.maximumf %reduce_sum3A_5, %max3A_6 : vector<1280xf32>
    %rsqrt3A = math.rsqrt %max3A_7 : vector<1280xf32>
    %get3A_8 = arith.constant 0 : index
    %get3A_9 = arith.constant 0 : index
    %get3A_10 = arith.constant 0 : index
    %get3A_11 = vector.load %arg1[%get3A_8, %get3A_9, %get3A_10] : memref<2x1280x128xf32, #tpu.memory_space<vmem>>, vector<1x1280x128xf32>
    %get3A_12 = vector.shape_cast %get3A_11 : vector<1x1280x128xf32> to vector<1280x128xf32>
    %get3A_13 = arith.constant 1 : index
    %get3A_14 = arith.constant 0 : index
    %get3A_15 = arith.constant 0 : index
    %get3A_16 = vector.load %arg1[%get3A_13, %get3A_14, %get3A_15] : memref<2x1280x128xf32, #tpu.memory_space<vmem>>, vector<1x1280x128xf32>
    %get3A_17 = vector.shape_cast %get3A_16 : vector<1x1280x128xf32> to vector<1280x128xf32>
    %add3A = arith.addf %get3A_12, %get3A_17 : vector<1280x128xf32>
    %broadcast_in_dim3A = vector.shape_cast %rsqrt3A : vector<1280xf32> to vector<1280x1xf32>
    %mul3A_18 = vector.broadcast %broadcast_in_dim3A : vector<1280x1xf32> to vector<1280x128xf32>
    %mul3A_19 = arith.mulf %add3A, %mul3A_18 : vector<1280x128xf32>
    %get3A_20 = arith.constant 0 : index
    %get3A_21 = arith.constant 0 : index
    %get3A_22 = vector.load %arg3[%get3A_20, %get3A_21] : memref<1x128xf32, #tpu.memory_space<vmem>>, vector<1x128xf32>
    %add3A_23 = vector.broadcast %get3A_22 : vector<1x128xf32> to vector<1280x128xf32>
    %add3A_24 = arith.addf %mul3A_19, %add3A_23 : vector<1280x128xf32>
    %max3A_25 = arith.constant 0.000000e+00 : f32
    %max3A_26 = vector.broadcast %max3A_25 : f32 to vector<1280x128xf32>
    %max3A_27 = arith.maximumf %add3A_24, %max3A_26 : vector<1280x128xf32>
    %get3A_28 = arith.constant 0 : index
    %get3A_29 = arith.constant 0 : index
    %get3A_30 = vector.load %arg4[%get3A_28, %get3A_29] : memref<128x128xf32, #tpu.memory_space<vmem>>, vector<128x128xf32>
    %dot_general3A = arith.constant dense<0.000000e+00> : vector<1280x128xf32>
    %dot_general3A_31 = tpu.matmul %max3A_27, %get3A_30, %dot_general3A {dimension_numbers = #tpu.dot_dimension_numbers<[1], [0], [0], [1], [0, 0, 1, 1], [], []>, transpose_lhs_hint = false} : vector<1280x128xf32>, vector<128x128xf32>, vector<1280x128xf32> -> vector<1280x128xf32>
    %broadcast_in_dim3A_32 = vector.shape_cast %rsqrt3A : vector<1280xf32> to vector<1280x1xf32>
    %mul3A_33 = vector.broadcast %broadcast_in_dim3A_32 : vector<1280x1xf32> to vector<1280x128xf32>
    %mul3A_34 = arith.mulf %dot_general3A_31, %mul3A_33 : vector<1280x128xf32>
    %swap3A = arith.constant 0 : index
    %swap3A_35 = arith.constant 0 : index
    %swap3A_36 = vector.load %arg5[%swap3A, %swap3A_35] : memref<1280x128xf32, #tpu.memory_space<vmem>>, vector<1280x128xf32>
    tpu.vector_store %arg5[%swap3A, %swap3A_35], %mul3A_34 {strides = array<i32>} : memref<1280x128xf32, #tpu.memory_space<vmem>>, vector<1280x128xf32>,
    return
  }
  func.func @transform_0(%arg0: i32) -> (i32, i32, i32) {
    %c0_i32 = arith.constant 0 : i32
    %c0_i32_0 = arith.constant 0 : i32
    %c0_i32_1 = arith.constant 0 : i32
    return %c0_i32, %arg0, %c0_i32_0 : i32, i32, i32
  }
  func.func @transform_1(%arg0: i32) -> (i32, i32, i32) {
    %c0_i32 = arith.constant 0 : i32
    %c0_i32_0 = arith.constant 0 : i32
    %c0_i32_1 = arith.constant 0 : i32
    %c0_i32_2 = arith.constant 0 : i32
    return %c0_i32, %c0_i32_0, %c0_i32_1 : i32, i32, i32
  }
  func.func @transform_2(%arg0: i32) -> (i32, i32) {
    %c0_i32 = arith.constant 0 : i32
    %c0_i32_0 = arith.constant 0 : i32
    %c0_i32_1 = arith.constant 0 : i32
    return %c0_i32, %c0_i32_0 : i32, i32
  }
  func.func @transform_3(%arg0: i32) -> (i32, i32) {
    %c0_i32 = arith.constant 0 : i32
    %c0_i32_0 = arith.constant 0 : i32
    %c0_i32_1 = arith.constant 0 : i32
    return %c0_i32, %c0_i32_0 : i32, i32
  }
  func.func @transform_4(%arg0: i32) -> (i32, i32) {
    %c0_i32 = arith.constant 0 : i32
    %c0_i32_0 = arith.constant 0 : i32
    return %arg0, %c0_i32 : i32, i32
  }
}

module attributes {stable_mosaic.version = 14 : i64} {
  func.func @_fin_body(%arg0: i32, %arg1: memref<2x1280x128xf32, #tpu.memory_space<vmem>>, %arg2: memref<32x1x10240xf32, #tpu.memory_space<vmem>>, %arg3: memref<1x128xf32, #tpu.memory_space<vmem>>, %arg4: memref<1280x128xf32, #tpu.memory_space<vmem>>) attributes {dimension_semantics = [#tpu.dimension_semantics<arbitrary>], iteration_bounds = array<i64: 8>, scalar_prefetch = 0 : i64, scratch_operands = 0 : i64, tpu.core_type = #tpu.core_type<tc>, window_params = [{transform_indices = @transform_0, window_bounds = array<i64: 2, 1280, 128>}, {pipeline_mode = #tpu.pipeline_mode<synchronous>, transform_indices = @transform_1, window_bounds = array<i64: 32, 1, 10240>}, {pipeline_mode = #tpu.pipeline_mode<synchronous>, transform_indices = @transform_2, window_bounds = array<i64: 1, 128>}, {transform_indices = @transform_3, window_bounds = array<i64: 1280, 128>}]} {
    %mul3A = arith.constant 1280 : i32
    %mul3A_0 = arith.muli %arg0, %mul3A : i32
    %get3A = arith.constant 0 : index
    %get3A_1 = arith.constant 0 : index
    %get3A_2 = arith.index_cast %mul3A_0 : i32 to index
    %get3A_3 = vector.load %arg2[%get3A, %get3A_1, %get3A_2] : memref<32x1x10240xf32, #tpu.memory_space<vmem>>, vector<32x1x1280xf32>
    %get3A_4 = vector.shape_cast %get3A_3 : vector<32x1x1280xf32> to vector<32x1280xf32>
    %reduce_sum3A = arith.constant dense<0.000000e+00> : vector<1280xf32>
    %reduce_sum3A_5 = vector.multi_reduction <add>, %get3A_4, %reduce_sum3A [0] : vector<32x1280xf32> to vector<1280xf32>
    %max3A = arith.constant 1.000000e+00 : f32
    %max3A_6 = vector.broadcast %max3A : f32 to vector<1280xf32>
    %max3A_7 = arith.maximumf %reduce_sum3A_5, %max3A_6 : vector<1280xf32>
    %rsqrt3A = math.rsqrt %max3A_7 : vector<1280xf32>
    %get3A_8 = arith.constant 0 : index
    %get3A_9 = arith.constant 0 : index
    %get3A_10 = arith.constant 0 : index
    %get3A_11 = vector.load %arg1[%get3A_8, %get3A_9, %get3A_10] : memref<2x1280x128xf32, #tpu.memory_space<vmem>>, vector<1x1280x128xf32>
    %get3A_12 = vector.shape_cast %get3A_11 : vector<1x1280x128xf32> to vector<1280x128xf32>
    %get3A_13 = arith.constant 1 : index
    %get3A_14 = arith.constant 0 : index
    %get3A_15 = arith.constant 0 : index
    %get3A_16 = vector.load %arg1[%get3A_13, %get3A_14, %get3A_15] : memref<2x1280x128xf32, #tpu.memory_space<vmem>>, vector<1x1280x128xf32>
    %get3A_17 = vector.shape_cast %get3A_16 : vector<1x1280x128xf32> to vector<1280x128xf32>
    %add3A = arith.addf %get3A_12, %get3A_17 : vector<1280x128xf32>
    %broadcast_in_dim3A = vector.shape_cast %rsqrt3A : vector<1280xf32> to vector<1280x1xf32>
    %mul3A_18 = vector.broadcast %broadcast_in_dim3A : vector<1280x1xf32> to vector<1280x128xf32>
    %mul3A_19 = arith.mulf %add3A, %mul3A_18 : vector<1280x128xf32>
    %get3A_20 = arith.constant 0 : index
    %get3A_21 = arith.constant 0 : index
    %get3A_22 = vector.load %arg3[%get3A_20, %get3A_21] : memref<1x128xf32, #tpu.memory_space<vmem>>, vector<1x128xf32>
    %add3A_23 = vector.broadcast %get3A_22 : vector<1x128xf32> to vector<1280x128xf32>
    %add3A_24 = arith.addf %mul3A_19, %add3A_23 : vector<1280x128xf32>
    %swap3A = arith.constant 0 : index
    %swap3A_25 = arith.constant 0 : index
    %swap3A_26 = vector.load %arg4[%swap3A, %swap3A_25] : memref<1280x128xf32, #tpu.memory_space<vmem>>, vector<1280x128xf32>
    tpu.vector_store %arg4[%swap3A, %swap3A_25], %add3A_24 {strides = array<i32>} : memref<1280x128xf32, #tpu.memory_space<vmem>>, vector<1280x128xf32>,
    return
  }
  func.func @transform_0(%arg0: i32) -> (i32, i32, i32) {
    %c0_i32 = arith.constant 0 : i32
    %c0_i32_0 = arith.constant 0 : i32
    %c0_i32_1 = arith.constant 0 : i32
    return %c0_i32, %arg0, %c0_i32_0 : i32, i32, i32
  }
  func.func @transform_1(%arg0: i32) -> (i32, i32, i32) {
    %c0_i32 = arith.constant 0 : i32
    %c0_i32_0 = arith.constant 0 : i32
    %c0_i32_1 = arith.constant 0 : i32
    %c0_i32_2 = arith.constant 0 : i32
    return %c0_i32, %c0_i32_0, %c0_i32_1 : i32, i32, i32
  }
  func.func @transform_2(%arg0: i32) -> (i32, i32) {
    %c0_i32 = arith.constant 0 : i32
    %c0_i32_0 = arith.constant 0 : i32
    %c0_i32_1 = arith.constant 0 : i32
    return %c0_i32, %c0_i32_0 : i32, i32
  }
  func.func @transform_3(%arg0: i32) -> (i32, i32) {
    %c0_i32 = arith.constant 0 : i32
    %c0_i32_0 = arith.constant 0 : i32
    return %arg0, %c0_i32 : i32, i32
  }
}

</mosaic_0001>

<sc_bundles>
// kernel: kernel.11.cloned.1.call-start
scs
__scs_entry_jumppad:
0x0: {  	(pc) =	sbr.rel $0x88, $3  }
0x1: {  	(tag) =	ssettag $0x0;
	lr =	simm.s32 $0x1  }
0x2: {  	[smem:$0x3F9B] =	sst lr;
	_ =	strace $0xD0000000  }
0x3: {  	_ = 	snop  }
0x4: {  	_ = 	snop  }
0x5: {  	_ = 	snop  }
0x6: {  	_ = 	snop  }
0x7: {  	_ = 	snop  }
__scs_overlays_trampoline_lowered:
0x8: {  	[smem:$0x3FAA] =	sst s0  }
0x9: {  	[smem:$0x3FAB] =	sst s1  }
0xa: {  	[smem:$0x3FAC] =	sst s2  }
0xb: {  	[smem:$0x3FAD] =	sst s3  }
0xc: {  	[smem:$0x3FAE] =	sst s4  }
0xd: {  	[smem:$0x3FAF] =	sst s5  }
0xe: {  	[smem:$0x3FB0] =	sst s6  }
0xf: {  	[smem:$0x3FB1] =	sst s7  }
0x10: {  	[smem:$0x3FB2] =	sst s8  }
0x11: {  	[smem:$0x3FB3] =	sst s9;
	s0 =	simm.s32 @!p0 $0x0  }
0x12: {  	s1 =	sld [smem:$0x3F99];
	s0 =	simm.s32 @p0 $0x1  }
0x13: {  	[smem:$0x3FB4] =	sst s0;
	s0 =	simm.s32 @!p1 $0x0  }
0x14: {  	s2 =	sld [smem:$0x3F98];
	s0 =	simm.s32 @p1 $0x1  }
0x15: {  	[smem:$0x3FB5] =	sst s0;
	s0 =	simm.s32 @!p2 $0x0  }
0x16: {  	s3 =	sld [smem:$0x3FDB];
	s0 =	simm.s32 @p2 $0x1  }
0x17: {  	s4 =	simm.s32 $0x1BF5;
	[smem:$0x3FB7] =	sst s0  }
0x18: {  	s0 =	sld [smem:$0x3F9A];
	_ =	swait.ge [sflag:s4], $0x0  }
0x19: {  	s7 =	sld [smem:$0x3F9B]  }
0x1a: {  	s8 =	sadd.s32 $0xFFFFE003, lr  }
0x1b: {  	s9 =	sadd.s32 $0xFFFFFEF7, lr;
	s5 =	simm.s32 $0xFFFFFFFF;
	p2 =	slt.u32 s8, $0xFFFFF086  }
0x1c: {  	p1 =	slt.u32 s9, $0xF7A;
	s5 =	simm.s32 @!p2 $0x0  }
0x1d: {  	s5 =	simm.s32 @p1 $0x1;
	p0 =	seq.s32 s7, s2  }
0x1e: {  	s7 =	smul.u32 @!p0 $0xF7A, s2;
	p2 =	seq.s32 @!p0 s5, $0x0  }
0x1f: {  	s9 =	smul.u32 $0xF7A, s1;
	s8 =	simm.s32 @!p0 $0x1BF5;
	p2 =	por !p2, p0  }
0x20: {  	[sflag:s8] =	ssyncset.s32 @!p0 $0xFFFFF086;
	s6 =	sadd.s32 @!p0 s3, s7;
	s7 =	simm.s32 @!p0 $0x108  }
0x21: {  	s3 =	sadd.s32 s3, s9;
	s6 =	sadd.s32 @!p0 $0x88, s6;
	s7 =	simm.s32 @p2 $0x1082  }
0x22: {  	[simem:s7], [sflag:s8] =	dma.local @!p0 [hbm:s6], $0xF7A  }
0x23: {  	s9 =	sor.u32 $0xD0000000, s2;
	s6 =	simm.s32 $0x108;
	_ =	swait.ge @!p0 [sflag:s8], $0x0  }
0x24: {  	s3 =	sadd.s32 $0x88, s3;
	s6 =	simm.s32 @!p1 $0x1082;
	[sflag:s4] =	ssyncset.s32 $0xFFFFF086  }
0x25: {  	[simem:s6], [sflag:s4] =	dma.local [hbm:s3], $0xF7A  }
0x26: {  	[smem:$0x3F9B] =	sst s1;
	(tag) =	ssettag s2;
	_ =	strace s9  }
0x27: {  	s1 =	sld [smem:$0x3FAB]  }
0x28: {  	s2 =	sld [smem:$0x3FAC]  }
0x29: {  	s4 =	sld [smem:$0x3FAE]  }
0x2a: {  	p0 =	seq.s32 s5, $0x0;
	s5 =	sld [smem:$0x3FAF]  }
0x2b: {  	s6 =	sld [smem:$0x3FB0]  }
0x2c: {  	s7 =	sld [smem:$0x3FB1]  }
0x2d: {  	s3 =	simm.s32 $0x108;
	s8 =	sld [smem:$0x3FB2]  }
0x2e: {  	s3 =	simm.s32 @!p0 $0x1082;
	s9 =	sld [smem:$0x3FB3]  }
0x2f: {  	lr =	sadd.s32 s0, s3;
	s0 =	sld [smem:$0x3FAA]  }
0x30: {  	s3 =	sld [smem:$0x3FAD]  }
0x31: {  	[smem:$0x3FB6] =	sst s10  }
0x32: {  	s10 =	sld [smem:$0x3FB4];
	_ =	sdelay $0x3  }
0x33: {  	p0 =	seq.s32 s10, $0x1;
	s10 =	sld [smem:$0x3FB6];
	_ =	sdelay $0x3  }
0x34: {  	[smem:$0x3FB6] =	sst s10  }
0x35: {  	s10 =	sld [smem:$0x3FB5];
	_ =	sdelay $0x3  }
0x36: {  	p1 =	seq.s32 s10, $0x1;
	s10 =	sld [smem:$0x3FB6];
	_ =	sdelay $0x3  }
0x37: {  	[smem:$0x3FB6] =	sst s10  }
0x38: {  	s10 =	sld [smem:$0x3FB7]  }
0x39: {  	_ = 	snop;
	(pc) =	sbr.ind lr, $3  }
0x3a: {  	_ = 	snop  }
0x3b: {  	_ = 	snop  }
0x3c: {  	p2 =	seq.s32 s10, $0x1;
	s10 =	sld [smem:$0x3FB6]  }
0x3d: {  	_ =	shalt  }
0x3e: {  	_ =	shalt  }
0x3f: {  	_ =	shalt  }
0x40: {  	_ =	shalt  }
0x41: {  	_ =	shalt  }
0x42: {  	_ =	shalt  }
0x43: {  	_ =	shalt  }
0x44: {  	_ =	shalt  }
0x45: {  	_ =	shalt  }
0x46: {  	_ =	shalt  }
0x47: {  	_ =	shalt  }
0x48: {  	_ =	shalt  }
0x49: {  	_ =	shalt  }
0x4a: {  	_ =	shalt  }
0x4b: {  	_ =	shalt  }
0x4c: {  	_ =	shalt  }
0x4d: {  	_ =	shalt  }
0x4e: {  	_ =	shalt  }
0x4f: {  	_ =	shalt  }
0x50: {  	_ =	shalt  }
0x51: {  	_ =	shalt  }
0x52: {  	_ =	shalt  }
0x53: {  	_ =	shalt  }
0x54: {  	_ =	shalt  }
0x55: {  	_ =	shalt  }
0x56: {  	_ =	shalt  }
0x57: {  	_ =	shalt  }
0x58: {  	_ =	shalt  }
0x59: {  	_ =	shalt  }
0x5a: {  	_ =	shalt  }
0x5b: {  	_ =	shalt  }
0x5c: {  	_ =	shalt  }
0x5d: {  	_ =	shalt  }
0x5e: {  	_ =	shalt  }
0x5f: {  	_ =	shalt  }
0x60: {  	_ =	shalt  }
0x61: {  	_ =	shalt  }
0x62: {  	_ =	shalt  }
0x63: {  	_ =	shalt  }
0x64: {  	_ =	shalt  }
0x65: {  	_ =	shalt  }
0x66: {  	_ =	shalt  }
0x67: {  	_ =	shalt  }
0x68: {  	_ =	shalt  }
0x69: {  	_ =	shalt  }
0x6a: {  	_ =	shalt  }
0x6b: {  	_ =	shalt  }
0x6c: {  	_ =	shalt  }
0x6d: {  	_ =	shalt  }
0x6e: {  	_ =	shalt  }
0x6f: {  	_ =	shalt  }
0x70: {  	_ =	shalt  }
0x71: {  	_ =	shalt  }
0x72: {  	_ =	shalt  }
0x73: {  	_ =	shalt  }
0x74: {  	_ =	shalt  }
0x75: {  	_ =	shalt  }
0x76: {  	_ =	shalt  }
0x77: {  	_ =	shalt  }
0x78: {  	_ =	shalt  }
0x79: {  	_ =	shalt  }
0x7a: {  	_ =	shalt  }
0x7b: {  	_ =	shalt  }
0x7c: {  	_ =	shalt  }
0x7d: {  	_ =	shalt  }
0x7e: {  	_ =	shalt  }
0x7f: {  	_ =	shalt  }
0x80: {  	_ =	shalt  }
0x81: {  	_ =	shalt  }
0x82: {  	_ =	shalt  }
0x83: {  	_ =	shalt  }
0x84: {  	_ =	shalt  }
0x85: {  	_ =	shalt  }
0x86: {  	_ =	shalt  }
0x87: {  	_ =	shalt  }
.Lfunc_end0:
.L_simem_size_0:
called_computation.1_lowered:
.L_overlay_start_0:
0x88: {  	s2 =	sld [smem:$0x3FD9]  }
0x89: {  	s3 =	sld [smem:$0x3FFE];
	_ =	sdelay $0x1  }
0x8a: {  	s1 =	srdreg.scid  }
0x8b: {  	s0 =	sand.u32 $0x1, s1  }
0x8c: {  	s17 =	sshll.u32 s0, $0xA;
	s2 =	sadd.s32 s3, s2  }
0x8d: {  	s2 =	sadd.s32 s2, s17  }
0x8e: {  	[smem:$0x3FC2] =	sst s2  }
0x8f: {  	_ = 	snop  }
0x90: {  	s2 =	sld [smem:$0x3FD0];
	(tm) =	ssettm $0x1  }
0x91: {  	s18 =	sld [smem:$0x3FFB];
	_ =	sdelay $0x3  }
0x92: {  	_ =	strace s18  }
0x93: {  	s3 =	sld [smem:$0x3FFC];
	_ =	sdelay $0x3  }
0x94: {  	_ =	strace s3  }
0x95: {  	s3 =	sld [smem:$0x3FFD];
	_ =	sdelay $0x3  }
0x96: {  	_ =	strace s3  }
0x97: {  	_ =	strace $0x8FFFFFFF  }
0x98: {  	s19 =	sld [smem:$0x3FDB];
	_ =	sdelay $0x1  }
0x99: {  	s4 =	simm.s32 $_scs_section_size  }
0x9a: {  	s5 =	simm.s32 $_size__tile_overlayer_lowered;
	s6 =	simm.s32 $_tile_overlayer_lowered  }
0x9b: {  	s22 =	simm.s32 $0x1BFF;
	s21 =	sshll.u32 s6, $0x1;
	s3 =	sadd.s32 s4, s19  }
0x9c: {  	s7 =	simm.s32 $0x0;
	s20 =	sshll.u32 s5, $0x1;
	s5 =	sadd.s32 s21, s3  }
0x9d: {  	[timem:s7], [sflag:s22] =	dma.local [hbm:s5], s20  }
0x9e: {  	_ =	swait.ge [sflag:s22], s20  }
0x9f: {  	s4 =	ssub.s32 $0x0, s20;
	[sflag:s22] =	ssyncset.done $0x0  }
0xa0: {  	[sflag:s22] =	ssyncadd.s32 s4;
	_ =	sdelay $0x1  }
0xa1: {  	s23 =	simm.s32 $0x1B8B  }
0xa2: {  	_ =	swait.ge [sflag:s23], $0x1  }
0xa3: {  	[sflag:s23] =	ssyncset.done $0x0  }
0xa4: {  	s25 =	simm.s32 $0x1B8E;
	s24 =	sld [smem:$0x3FFE];
	[sflag:s23] =	ssyncadd.s32 $0xFFFFFFFF  }
0xa5: {  	s26 =	simm.s32 $execute0_lowered;
	[smem:$0x3FD2] =	sst s25  }
0xa6: {  	s5 =	sshll.u32 s26, $0x1;
	_ =	strace $0x80000049;
	[dreg:$0x1] =	wrdreg $0xFFFFFFFF  }
0xa7: {  	s28 =	simm.s32 $_size_execute0_lowered;
	s3 =	sadd.s32 s3, s5;
	[dreg:$0x0] =	wrdreg $0x0  }
0xa8: {  	s5 =	sshll.u32 s28, $0x1;
	[dreg:$0x2] =	wrdreg s3  }
0xa9: {  	[dreg:$0x3] =	wrdreg s5  }
0xaa: {  	[dreg:$0x4] =	wrdreg $0xC0  }
0xab: {  	_ =	task [dreg:s7], $0x5FFFF  }
0xac: {  	[dreg:$0x1] =	wrdreg $0xFFFFFFFF  }
0xad: {  	[dreg:$0x0] =	wrdreg $0x60  }
0xae: {  	[dreg:$0x2] =	wrdreg s2  }
0xaf: {  	[dreg:$0x3] =	wrdreg s24  }
0xb0: {  	[dreg:$0x4] =	wrdreg $0x0  }
0xb1: {  	[dreg:$0x5] =	wrdreg $0x9  }
0xb2: {  	_ =	task.clear_ibuf [dreg:s7], $0x6FFFF;
	_ =	strace $0x90000049  }
0xb3: {  	s29 =	simm.s32 $0x9;
	_ =	strace $0x8000004B  }
0xb4: {  	_ =	swait.ge [sflag:s29], $0x1  }
0xb5: {  	[sflag:s29] =	ssyncadd.s32 $0xFFFFFFFF  }
0xb6: {  	_ =	strace $0x9000004B  }
0xb7: {  	_ =	sfence  }
0xb8: {  	s30 =	sld [smem:$0x0];
	_ =	sdelay $0x2  }
0xb9: {  	s31 =	sshll.u32 s1, $0xD;
	s1 =	sshrl.u32 s1, $0x2  }
0xba: {  	s3 =	sand.u32 $0x4000, s31;
	s1 =	sadd.s32 s1, s30  }
0xbb: {  	s0 =	sor.u32 s3, s0;
	s1 =	sshll.u32 s1, $0x11  }
0xbc: {  	s0 =	sor.u32 s1, s0  }
0xbd: {  	s0 =	sadd.s32 $0x8F2B, s0  }
0xbe: {  	[sflag:s0] =	ssyncadd.remote.s32 $0x1  }
0xbf: {  	_ =	sfence.sel $0xFFFF  }
0xc0: {  	[dreg:$0x0] =	wrdreg $0xFFFFFFFF;
	(pc) =	sbr.abs _section_cstart, $3  }
0xc1: {  	[dreg:$0x1] =	wrdreg $0xFFFFFFFF  }
0xc2: {  	_ =	task.clear_ibuf [dreg:s7], $0x2FFFF;
	_ =	strace $0x9FFFFFFF  }
0xc3: {  	(tm) =	ssettm $0x7FFFFFFF  }
tec
execute0_lowered:
.L_overlay_start_1:
0x0: {  	(tag) =	ssettag $0x1  }
0x1: {  	s1 =	rddreg [dreg:$0x0]  }
0x2: {  	s0 =	rddreg [dreg:$0x1]  }
0x3: {  	s2 =	rddreg [dreg:$0x2];
	s3 =	srdreg.scid  }
0x4: {  	s4 =	simm.s32 $0x0;
	s5 =	stileid.u32;
	s16 =	simm.s32 $0x13C00  }
0x5: {  	s17 =	simm.s32 $0x13D00;
	s20 =	simm.s32 $0x1;
	s21 =	simm.s32 $0x64  }
0x6: {  	s23 =	simm.s32 $0x2;
	s28 =	simm.s32 $0xE;
	s7 =	smul.u32 $0x13C00, s5  }
0x7: {  	s29 =	simm.s32 $0x0;
	s3 =	sand.u32 $0x1, s3;
	s9 =	smul.u32 $0x4F000, s5  }
0x8: {  	[smem:$0x7FF] =	sst s4;
	s14 =	sadd.s32 $0xBE00, s0;
	s26 =	smul.u32 $0xC800, s5  }
0x9: {  	s8 =	sadd.s32 $0x2000, s0;
	s24 =	sshll.u32 s5, $0x1;
	s6 =	smul.u32 $0x13C000, s3  }
0xa: {  	_ =	strace $0x8000004A;
	[dreg:$0x4] =	wrdreg s8;
	s25 =	ssub.s32 $0x2, s3  }
0xb: {  	s10 =	sshrl.u32 s25, $0x1;
	s30 =	sshrl.u32 s9, $0x2;
	s6 =	sadd.s32 s7, s6  }
0xc: {  	s7 =	sor.u32 s3, s24;
	s13 =	ssub.s32 s25, s10;
	s3 =	smul.u32 $0x6400, s3  }
0xd: {  	s15 =	sadd.s32 s30, s2;
	s25 =	simm.s32 $0xD;
	s6 =	sshrl.u32 s6, $0x3  }
0xe: {  	s7 =	smul.u32 $0x6400, s7;
	s13 =	smax.u32 s13, $0x1;
	s15 =	sshrl.u32 s15, $0x3  }
.Ltmp0:
0xf: {  	s0 =	sadd.s32 s6, s0;
	s6 =	sshll.u32 s5, $0x6;
	(pc) =	sbr.rel .LBB2_1-.Ltmp0, $4  }
0x10: {  	s3 =	sadd.s32 s3, s26;
	s26 =	simm.s32 $0xA;
	s7 =	sshrl.u32 s7, $0x3  }
0x11: {  	s8 =	sor.u32 $0x1C0D, s6;
	s3 =	sadd.s32 $0x400, s3;
	s7 =	sadd.s32 s14, s7  }
0x12: {  	s12 =	sadd.s32 $0x24E00, s0;
	s31 =	sshrl.u32 s3, $0x3;
	s9 =	sadd.s32 $0x20, s7  }
0x13: {  	s10 =	sadd.s32 $0x40, s7;
	s11 =	sadd.s32 $0x60, s7;
	s14 =	sadd.s32 s31, s14  }
.LBB2_5:
0x14: {  	_ =	swait.ge [sflag:s26], $0x3200  }
0x15: {  	s29 =	sadd.s32 $0x1, s29;
	[sflag:s26] =	ssyncset.done $0x0  }
0x16: {  	p0 =	sne.s32 s29, s13;
	[sflag:s26] =	ssyncadd.s32 $0xFFFFCE00  }
.Ltmp1:
0x17: {  	s0 =	sor.u32 $0x1C0E, s6;
	[bflag:$0x0] =	sbarrier.arrive $0xFFFF;
	(pc) =	sbr.rel @!p0 .LBB2_6-.Ltmp1, $4  }
0x18: {  	[hbm:s12], [sflag:s0] =	dma.local [spmem:s15], $0x2780  }
0x19: {  	_ =	swait.ge [sflag:s28], $0x2780  }
0x1a: {  	[sflag:s28] =	ssyncset.done $0x0  }
0x1b: {  	[sflag:s28] =	ssyncadd.s32 $0xFFFFD880  }
.LBB2_1:
0x1c: {  	s0 =	rddreg [dreg:$0x4]  }
0x1d: {  	[spmem:s15], [sflag:s8] =	dma.local [hbm:s0], $0x2780  }
0x1e: {  	[tilespmem:s16], [sflag:$0x1] =	stream.linear.gather [hbm4b:s7+s4], $0x100, $0x38;
	[tilespmem:$0x1DE00] =	vst v63  }
0x1f: {  	_ = 	snop  }
0x20: {  	[tilespmem:s17], [sflag:$0x2] =	stream.linear.gather [hbm4b:s9+s4], $0x100, $0x38;
	[tilespmem:$0x1DE00] =	vst v63  }
0x21: {  	s18 =	simm.s32 $0x13E00  }
0x22: {  	[tilespmem:s18], [sflag:$0x3] =	stream.linear.gather [hbm4b:s10+s4], $0x100, $0x38;
	[tilespmem:$0x1DE00] =	vst v63  }
0x23: {  	s19 =	simm.s32 $0x13F00  }
0x24: {  	[tilespmem:s19], [sflag:$0x4] =	stream.linear.gather [hbm4b:s11+s4], $0x100, $0x38;
	[tilespmem:$0x1DE00] =	vst v63  }
0x25: {  	_ =	swait.ge [sflag:s20], $0x100  }
0x26: {  	[sflag:s20] =	ssyncset.done $0x0  }
0x27: {  	s22 =	simm.s32 $0x14200;
	[sflag:s20] =	ssyncadd.s32 $0xFFFFFF00  }
0x28: {  	[tilespmem:s22], [sflag:$0x7] =	stream.indirect.gather [hbm4b:s1+s21], $0x80, s16, s21, $0xb8;
	[tilespmem:$0x1DE00] =	vst v63  }
0x29: {  	_ =	swait.ge [sflag:s23], $0x100  }
0x2a: {  	[sflag:s23] =	ssyncset.done $0x0  }
0x2b: {  	s24 =	simm.s32 $0x17600;
	[sflag:s23] =	ssyncadd.s32 $0xFFFFFF00  }
0x2c: {  	[tilespmem:s24], [sflag:$0x8] =	stream.indirect.gather [hbm4b:s1+s21], $0x80, s17, s21, $0xb8;
	[tilespmem:$0x1DE00] =	vst v63  }
.Ltmp2:
0x2d: {  	_ =	swait.ge [sflag:s25], $0x2780;
	(pc) =	sbr.rel .LBB2_2-.Ltmp2, $4  }
0x2e: {  	[sflag:s25] =	ssyncset.done $0x0  }
0x2f: {  	[sflag:s25] =	ssyncadd.s32 $0xFFFFD880  }
0x30: {  	[bflag:$0x0] =	sbarrier.arrive $0xFFFF  }
0x31: {  	s30 =	smov.u32 s14;
	s31 =	simm.s32 $0x0  }
.LBB2_4:
0x32: {  	s31 =	sadd.s32 $0x1, s31  }
0x33: {  	p0 =	sne.s32 s31, $0x64  }
.Ltmp3:
0x34: {  	_ = 	snop;
	(pc) =	sbr.rel @!p0 .LBB2_5-.Ltmp3, $2  }
0x35: {  	_ =	sdelay $0x2  }
0x36: {  	s30 =	sadd.s32 $0x20, s30  }
.LBB2_2:
0x37: {  	s0 =	sand.u32 $0xFF, s31  }
0x38: {  	s18 =	smul.u32 $0xAB, s0;
	s0 =	sadd.s32 $0x2, s31  }
0x39: {  	s3 =	sand.u32 $0xFF, s0  }
0x3a: {  	s19 =	sshrl.u32 s18, $0x9;
	s3 =	smul.u32 $0xAB, s3  }
0x3b: {  	p0 =	seq.s32 s31, $0x0;
	s18 =	sshrl.u32 s18, $0xA;
	s19 =	smul.u32 $0x3, s19  }
0x3c: {  	p1 =	sgt.u32 @!p0 s31, $0x61;
	s18 =	smul.u32 $0x6, s18  }
0x3d: {  	p1 =	por p0, !p1;
	s22 =	sshrl.u32 s3, $0x9;
	s19 =	ssub.s32 s31, s19  }
0x3e: {  	s22 =	smul.u32 $0x3, s22;
	s18 =	ssub.s32 s31, s18;
	s19 =	sand.u32 $0xFF, s19  }
0x3f: {  	s18 =	sand.u32 $0xFF, s18;
	s24 =	smul.u32 $0xD000, s19;
	s5 =	sadd.s32 $0x7, s19  }
0x40: {  	s22 =	ssub.s32 s0, s22;
	s18 =	sshll.u32 s18, $0x8;
	_ =	swait.ge [sflag:s5], $0x3200  }
0x41: {  	s19 =	sadd.s32 $0xA, s19;
	s24 =	sshrl.u32 s24, $0x2;
	[sflag:s5] =	ssyncset.done $0x0  }
0x42: {  	s18 =	sadd.s32 $0x13C80, s18;
	s24 =	sadd.s32 $0x14200, s24;
	[sflag:s5] =	ssyncadd.s32 $0xFFFFCE00  }
0x43: {  	[spmem:s2] =	stream.indirect.scatter.add.f32 [tilespmem:s24], [sflag:s19], $0x80, s18, s21, $0xb8;
	[tilespmem:$0x1DE00] =	vst v63  }
.Ltmp4:
0x44: {  	s18 =	sand.u32 $0xFF, s22;
	(pc) =	sbr.rel @!p1 .LBB2_4-.Ltmp4, $4  }
0x45: {  	s5 =	sadd.s32 @!p0 $0xA, s18  }
0x46: {  	_ =	swait.ge @!p0 [sflag:s5], $0x3200  }
0x47: {  	[sflag:s5] =	ssyncset.done @!p0 $0x0  }
0x48: {  	[sflag:s5] =	ssyncadd.s32 @!p0 $0xFFFFCE00  }
0x49: {  	s3 =	sshrl.u32 s3, $0xA  }
0x4a: {  	s3 =	smul.u32 $0x6, s3;
	_ =	sdelay $0x1  }
0x4b: {  	s0 =	ssub.s32 s0, s3  }
0x4c: {  	p0 =	sgt.u32 s31, $0x5F;
	s0 =	sand.u32 $0xFF, s0  }
0x4d: {  	s5 =	smul.u32 $0xD000, s18;
	s19 =	sadd.s32 @!p0 $0x4, s31;
	s24 =	sadd.s32 $0x1, s0  }
0x4e: {  	s22 =	smul.u32 @!p0 $0xAB, s19;
	_ =	swait.ge [sflag:s24], $0x100  }
0x4f: {  	s0 =	sshll.u32 s0, $0x8;
	[sflag:s24] =	ssyncset.done $0x0  }
0x50: {  	[sflag:s24] =	ssyncadd.s32 $0xFFFFFF00;
	s24 =	sshrl.u32 s5, $0x2;
	s5 =	sshrl.u32 @!p0 s22, $0xA  }
0x51: {  	s0 =	sadd.s32 $0x13C00, s0;
	s5 =	sand.u32 @!p0 $0x3F, s5  }
0x52: {  	s3 =	sadd.s32 $0x14200, s24;
	s24 =	sadd.s32 $0x7, s18;
	s5 =	smul.u32 @!p0 $0x6, s5  }
0x53: {  	[tilespmem:s3], [sflag:s24] =	stream.indirect.gather [hbm4b:s1+s21], $0x80, s0, s21, $0xb8;
	[tilespmem:$0x1DE00] =	vst v63  }
.Ltmp5:
0x54: {  	s0 =	ssub.s32 @!p0 s19, s5;
	(pc) =	sbr.rel .LBB2_4-.Ltmp5, $4  }
0x55: {  	s0 =	sand.u32 @!p0 $0xFF, s0  }
0x56: {  	s3 =	sshll.u32 @!p0 s0, $0x8  }
0x57: {  	s5 =	simm.s32 @!p0 $0x0;
	s0 =	sadd.s32 @!p0 $0x1, s0;
	s3 =	sadd.s32 @!p0 $0x13C00, s3  }
0x58: {  	[tilespmem:s3], [sflag:s0] =	stream.linear.gather @!p0 [hbm4b:s30+s5], $0x100, $0x38;
	[tilespmem:$0x1DE00] =	vst v63  }
.LBB2_6:
0x59: {  	_ =	sfence.sel $0x180000  }
0x5a: {  	[bflag:$0x0] =	sbarrier.arrive $0xFFFF  }
0x5b: {  	_ =	strace $0x9000004A  }
0x5c: {  	s0 =	stileid.u32;
	[bflag:$0x2] =	sbarrier.arrive $0xFFFF  }
0x5d: {  	p0 =	sne.s32 s0, $0x0;
	s0 =	rddreg [dreg:$0x3]  }
0x5e: {  	s0 =	sadd.s32 @!p0 $0x100000, s0  }
0x5f: {  	[sflag:s0] =	ssyncadd.tile.s32 @!p0 $0x1;
	_ =	shalt  }
.Lfunc_end2:
_tile_overlayer_lowered:
.L_overlay_start_2:
0x60: {  	(tag) =	ssettag $0x2  }
0x61: {  	s0 =	rddreg [dreg:$0x0];
	s2 =	stileid.u32  }
0x62: {  	s1 =	rddreg [dreg:$0x1];
	p0 =	sne.s32 s2, $0x0  }
0x63: {  	s3 =	rddreg [dreg:$0x2];
	[bflag:$0x3] =	sbarrier.arrive $0xFFFF;
	s2 =	simm.s32 @!p0 $0x1C0E  }
0x64: {  	[timem:s3], [sflag:s2] =	dma.local @!p0 [hbm:s0], s1  }
0x65: {  	s0 =	simm.s32 @!p0 $0xE  }
0x66: {  	_ =	swait.ge @!p0 [sflag:s0], s1  }
0x67: {  	s1 =	ssub.s32 @!p0 $0x0, s1;
	[sflag:s0] =	ssyncset.done @!p0 $0x0  }
0x68: {  	[sflag:s0] =	ssyncadd.s32 @!p0 s1  }
0x69: {  	[bflag:$0x3] =	sbarrier.arrive $0xFFFF  }
0x6a: {  	_ =	shalt  }

// kernel: kernel.14.cloned.1.call-start
scs
__scs_entry_jumppad:
0x0: {  	(pc) =	sbr.rel $0x88, $3  }
0x1: {  	(tag) =	ssettag $0x0;
	lr =	simm.s32 $0x1  }
0x2: {  	[smem:$0x3F9B] =	sst lr;
	_ =	strace $0xD0000000  }
0x3: {  	_ = 	snop  }
0x4: {  	_ = 	snop  }
0x5: {  	_ = 	snop  }
0x6: {  	_ = 	snop  }
0x7: {  	_ = 	snop  }
__scs_overlays_trampoline_lowered:
0x8: {  	[smem:$0x3FAA] =	sst s0  }
0x9: {  	[smem:$0x3FAB] =	sst s1  }
0xa: {  	[smem:$0x3FAC] =	sst s2  }
0xb: {  	[smem:$0x3FAD] =	sst s3  }
0xc: {  	[smem:$0x3FAE] =	sst s4  }
0xd: {  	[smem:$0x3FAF] =	sst s5  }
0xe: {  	[smem:$0x3FB0] =	sst s6  }
0xf: {  	[smem:$0x3FB1] =	sst s7  }
0x10: {  	[smem:$0x3FB2] =	sst s8  }
0x11: {  	[smem:$0x3FB3] =	sst s9;
	s0 =	simm.s32 @!p0 $0x0  }
0x12: {  	s1 =	sld [smem:$0x3F99];
	s0 =	simm.s32 @p0 $0x1  }
0x13: {  	[smem:$0x3FB4] =	sst s0;
	s0 =	simm.s32 @!p1 $0x0  }
0x14: {  	s2 =	sld [smem:$0x3F98];
	s0 =	simm.s32 @p1 $0x1  }
0x15: {  	[smem:$0x3FB5] =	sst s0;
	s0 =	simm.s32 @!p2 $0x0  }
0x16: {  	s3 =	sld [smem:$0x3FDB];
	s0 =	simm.s32 @p2 $0x1  }
0x17: {  	s4 =	simm.s32 $0x1BF5;
	[smem:$0x3FB7] =	sst s0  }
0x18: {  	s0 =	sld [smem:$0x3F9A];
	_ =	swait.ge [sflag:s4], $0x0  }
0x19: {  	s7 =	sld [smem:$0x3F9B]  }
0x1a: {  	s8 =	sadd.s32 $0xFFFFE003, lr  }
0x1b: {  	s9 =	sadd.s32 $0xFFFFFEF7, lr;
	s5 =	simm.s32 $0xFFFFFFFF;
	p2 =	slt.u32 s8, $0xFFFFF086  }
0x1c: {  	p1 =	slt.u32 s9, $0xF7A;
	s5 =	simm.s32 @!p2 $0x0  }
0x1d: {  	s5 =	simm.s32 @p1 $0x1;
	p0 =	seq.s32 s7, s2  }
0x1e: {  	s7 =	smul.u32 @!p0 $0xF7A, s2;
	p2 =	seq.s32 @!p0 s5, $0x0  }
0x1f: {  	s9 =	smul.u32 $0xF7A, s1;
	s8 =	simm.s32 @!p0 $0x1BF5;
	p2 =	por !p2, p0  }
0x20: {  	[sflag:s8] =	ssyncset.s32 @!p0 $0xFFFFF086;
	s6 =	sadd.s32 @!p0 s3, s7;
	s7 =	simm.s32 @!p0 $0x108  }
0x21: {  	s3 =	sadd.s32 s3, s9;
	s6 =	sadd.s32 @!p0 $0x88, s6;
	s7 =	simm.s32 @p2 $0x1082  }
0x22: {  	[simem:s7], [sflag:s8] =	dma.local @!p0 [hbm:s6], $0xF7A  }
0x23: {  	s9 =	sor.u32 $0xD0000000, s2;
	s6 =	simm.s32 $0x108;
	_ =	swait.ge @!p0 [sflag:s8], $0x0  }
0x24: {  	s3 =	sadd.s32 $0x88, s3;
	s6 =	simm.s32 @!p1 $0x1082;
	[sflag:s4] =	ssyncset.s32 $0xFFFFF086  }
0x25: {  	[simem:s6], [sflag:s4] =	dma.local [hbm:s3], $0xF7A  }
0x26: {  	[smem:$0x3F9B] =	sst s1;
	(tag) =	ssettag s2;
	_ =	strace s9  }
0x27: {  	s1 =	sld [smem:$0x3FAB]  }
0x28: {  	s2 =	sld [smem:$0x3FAC]  }
0x29: {  	s4 =	sld [smem:$0x3FAE]  }
0x2a: {  	p0 =	seq.s32 s5, $0x0;
	s5 =	sld [smem:$0x3FAF]  }
0x2b: {  	s6 =	sld [smem:$0x3FB0]  }
0x2c: {  	s7 =	sld [smem:$0x3FB1]  }
0x2d: {  	s3 =	simm.s32 $0x108;
	s8 =	sld [smem:$0x3FB2]  }
0x2e: {  	s3 =	simm.s32 @!p0 $0x1082;
	s9 =	sld [smem:$0x3FB3]  }
0x2f: {  	lr =	sadd.s32 s0, s3;
	s0 =	sld [smem:$0x3FAA]  }
0x30: {  	s3 =	sld [smem:$0x3FAD]  }
0x31: {  	[smem:$0x3FB6] =	sst s10  }
0x32: {  	s10 =	sld [smem:$0x3FB4];
	_ =	sdelay $0x3  }
0x33: {  	p0 =	seq.s32 s10, $0x1;
	s10 =	sld [smem:$0x3FB6];
	_ =	sdelay $0x3  }
0x34: {  	[smem:$0x3FB6] =	sst s10  }
0x35: {  	s10 =	sld [smem:$0x3FB5];
	_ =	sdelay $0x3  }
0x36: {  	p1 =	seq.s32 s10, $0x1;
	s10 =	sld [smem:$0x3FB6];
	_ =	sdelay $0x3  }
0x37: {  	[smem:$0x3FB6] =	sst s10  }
0x38: {  	s10 =	sld [smem:$0x3FB7]  }
0x39: {  	_ = 	snop;
	(pc) =	sbr.ind lr, $3  }
0x3a: {  	_ = 	snop  }
0x3b: {  	_ = 	snop  }
0x3c: {  	p2 =	seq.s32 s10, $0x1;
	s10 =	sld [smem:$0x3FB6]  }
0x3d: {  	_ =	shalt  }
0x3e: {  	_ =	shalt  }
0x3f: {  	_ =	shalt  }
0x40: {  	_ =	shalt  }
0x41: {  	_ =	shalt  }
0x42: {  	_ =	shalt  }
0x43: {  	_ =	shalt  }
0x44: {  	_ =	shalt  }
0x45: {  	_ =	shalt  }
0x46: {  	_ =	shalt  }
0x47: {  	_ =	shalt  }
0x48: {  	_ =	shalt  }
0x49: {  	_ =	shalt  }
0x4a: {  	_ =	shalt  }
0x4b: {  	_ =	shalt  }
0x4c: {  	_ =	shalt  }
0x4d: {  	_ =	shalt  }
0x4e: {  	_ =	shalt  }
0x4f: {  	_ =	shalt  }
0x50: {  	_ =	shalt  }
0x51: {  	_ =	shalt  }
0x52: {  	_ =	shalt  }
0x53: {  	_ =	shalt  }
0x54: {  	_ =	shalt  }
0x55: {  	_ =	shalt  }
0x56: {  	_ =	shalt  }
0x57: {  	_ =	shalt  }
0x58: {  	_ =	shalt  }
0x59: {  	_ =	shalt  }
0x5a: {  	_ =	shalt  }
0x5b: {  	_ =	shalt  }
0x5c: {  	_ =	shalt  }
0x5d: {  	_ =	shalt  }
0x5e: {  	_ =	shalt  }
0x5f: {  	_ =	shalt  }
0x60: {  	_ =	shalt  }
0x61: {  	_ =	shalt  }
0x62: {  	_ =	shalt  }
0x63: {  	_ =	shalt  }
0x64: {  	_ =	shalt  }
0x65: {  	_ =	shalt  }
0x66: {  	_ =	shalt  }
0x67: {  	_ =	shalt  }
0x68: {  	_ =	shalt  }
0x69: {  	_ =	shalt  }
0x6a: {  	_ =	shalt  }
0x6b: {  	_ =	shalt  }
0x6c: {  	_ =	shalt  }
0x6d: {  	_ =	shalt  }
0x6e: {  	_ =	shalt  }
0x6f: {  	_ =	shalt  }
0x70: {  	_ =	shalt  }
0x71: {  	_ =	shalt  }
0x72: {  	_ =	shalt  }
0x73: {  	_ =	shalt  }
0x74: {  	_ =	shalt  }
0x75: {  	_ =	shalt  }
0x76: {  	_ =	shalt  }
0x77: {  	_ =	shalt  }
0x78: {  	_ =	shalt  }
0x79: {  	_ =	shalt  }
0x7a: {  	_ =	shalt  }
0x7b: {  	_ =	shalt  }
0x7c: {  	_ =	shalt  }
0x7d: {  	_ =	shalt  }
0x7e: {  	_ =	shalt  }
0x7f: {  	_ =	shalt  }
0x80: {  	_ =	shalt  }
0x81: {  	_ =	shalt  }
0x82: {  	_ =	shalt  }
0x83: {  	_ =	shalt  }
0x84: {  	_ =	shalt  }
0x85: {  	_ =	shalt  }
0x86: {  	_ =	shalt  }
0x87: {  	_ =	shalt  }
.Lfunc_end0:
.L_simem_size_0:
called_computation.2_lowered:
.L_overlay_start_0:
0x88: {  	s2 =	sld [smem:$0x3FD9]  }
0x89: {  	s3 =	sld [smem:$0x3FFE];
	_ =	sdelay $0x1  }
0x8a: {  	s1 =	srdreg.scid  }
0x8b: {  	s0 =	sand.u32 $0x1, s1  }
0x8c: {  	s17 =	sshll.u32 s0, $0xA;
	s2 =	sadd.s32 s3, s2  }
0x8d: {  	s2 =	sadd.s32 s2, s17  }
0x8e: {  	[smem:$0x3FC2] =	sst s2  }
0x8f: {  	_ = 	snop  }
0x90: {  	s2 =	sld [smem:$0x3FD0];
	(tm) =	ssettm $0x1  }
0x91: {  	s18 =	sld [smem:$0x3FFB];
	_ =	sdelay $0x3  }
0x92: {  	_ =	strace s18  }
0x93: {  	s3 =	sld [smem:$0x3FFC];
	_ =	sdelay $0x3  }
0x94: {  	_ =	strace s3  }
0x95: {  	s3 =	sld [smem:$0x3FFD];
	_ =	sdelay $0x3  }
0x96: {  	_ =	strace s3  }
0x97: {  	_ =	strace $0x8FFFFFFF  }
0x98: {  	s19 =	sld [smem:$0x3FDB];
	_ =	sdelay $0x1  }
0x99: {  	s4 =	simm.s32 $_scs_section_size  }
0x9a: {  	s5 =	simm.s32 $_size__tile_overlayer_lowered;
	s6 =	simm.s32 $_tile_overlayer_lowered  }
0x9b: {  	s22 =	simm.s32 $0x1BFF;
	s21 =	sshll.u32 s6, $0x1;
	s3 =	sadd.s32 s4, s19  }
0x9c: {  	s7 =	simm.s32 $0x0;
	s20 =	sshll.u32 s5, $0x1;
	s5 =	sadd.s32 s21, s3  }
0x9d: {  	[timem:s7], [sflag:s22] =	dma.local [hbm:s5], s20  }
0x9e: {  	_ =	swait.ge [sflag:s22], s20  }
0x9f: {  	s4 =	ssub.s32 $0x0, s20;
	[sflag:s22] =	ssyncset.done $0x0  }
0xa0: {  	[sflag:s22] =	ssyncadd.s32 s4;
	_ =	sdelay $0x1  }
0xa1: {  	s23 =	simm.s32 $0x1B8B  }
0xa2: {  	_ =	swait.ge [sflag:s23], $0x1  }
0xa3: {  	[sflag:s23] =	ssyncset.done $0x0  }
0xa4: {  	s25 =	simm.s32 $0x1B8E;
	s24 =	sld [smem:$0x3FFE];
	[sflag:s23] =	ssyncadd.s32 $0xFFFFFFFF  }
0xa5: {  	s26 =	simm.s32 $execute0_lowered;
	[smem:$0x3FD2] =	sst s25  }
0xa6: {  	s5 =	sshll.u32 s26, $0x1;
	_ =	strace $0x8000004C;
	[dreg:$0x1] =	wrdreg $0xFFFFFFFF  }
0xa7: {  	s28 =	simm.s32 $_size_execute0_lowered;
	s3 =	sadd.s32 s3, s5;
	[dreg:$0x0] =	wrdreg $0x0  }
0xa8: {  	s5 =	sshll.u32 s28, $0x1;
	[dreg:$0x2] =	wrdreg s3  }
0xa9: {  	[dreg:$0x3] =	wrdreg s5  }
0xaa: {  	[dreg:$0x4] =	wrdreg $0xC0  }
0xab: {  	_ =	task [dreg:s7], $0x5FFFF  }
0xac: {  	[dreg:$0x1] =	wrdreg $0xFFFFFFFF  }
0xad: {  	[dreg:$0x0] =	wrdreg $0x60  }
0xae: {  	[dreg:$0x2] =	wrdreg s2  }
0xaf: {  	[dreg:$0x3] =	wrdreg s24  }
0xb0: {  	[dreg:$0x4] =	wrdreg $0x0  }
0xb1: {  	[dreg:$0x5] =	wrdreg $0x9  }
0xb2: {  	_ =	task.clear_ibuf [dreg:s7], $0x6FFFF;
	_ =	strace $0x9000004C  }
0xb3: {  	s29 =	simm.s32 $0x9;
	_ =	strace $0x8000004E  }
0xb4: {  	_ =	swait.ge [sflag:s29], $0x1  }
0xb5: {  	[sflag:s29] =	ssyncadd.s32 $0xFFFFFFFF  }
0xb6: {  	_ =	strace $0x9000004E  }
0xb7: {  	_ =	sfence  }
0xb8: {  	s30 =	sld [smem:$0x0];
	_ =	sdelay $0x2  }
0xb9: {  	s31 =	sshll.u32 s1, $0xD;
	s1 =	sshrl.u32 s1, $0x2  }
0xba: {  	s3 =	sand.u32 $0x4000, s31;
	s1 =	sadd.s32 s1, s30  }
0xbb: {  	s0 =	sor.u32 s3, s0;
	s1 =	sshll.u32 s1, $0x11  }
0xbc: {  	s0 =	sor.u32 s1, s0  }
0xbd: {  	s0 =	sadd.s32 $0x8F2B, s0  }
0xbe: {  	[sflag:s0] =	ssyncadd.remote.s32 $0x1  }
0xbf: {  	_ =	sfence.sel $0xFFFF  }
0xc0: {  	[dreg:$0x0] =	wrdreg $0xFFFFFFFF;
	(pc) =	sbr.abs _section_cstart, $3  }
0xc1: {  	[dreg:$0x1] =	wrdreg $0xFFFFFFFF  }
0xc2: {  	_ =	task.clear_ibuf [dreg:s7], $0x2FFFF;
	_ =	strace $0x9FFFFFFF  }
0xc3: {  	(tm) =	ssettm $0x7FFFFFFF  }
tec
execute0_lowered:
.L_overlay_start_1:
0x0: {  	(tag) =	ssettag $0x1  }
0x1: {  	s1 =	rddreg [dreg:$0x0]  }
0x2: {  	s0 =	rddreg [dreg:$0x1]  }
0x3: {  	s2 =	rddreg [dreg:$0x2];
	s3 =	srdreg.scid  }
0x4: {  	s4 =	simm.s32 $0x0;
	s5 =	stileid.u32;
	s16 =	simm.s32 $0x13C00  }
0x5: {  	s17 =	simm.s32 $0x13D00;
	s20 =	simm.s32 $0x1;
	s21 =	simm.s32 $0x64  }
0x6: {  	s23 =	simm.s32 $0x2;
	s28 =	simm.s32 $0xE;
	s7 =	smul.u32 $0x13C00, s5  }
0x7: {  	s29 =	simm.s32 $0x0;
	s3 =	sand.u32 $0x1, s3;
	s9 =	smul.u32 $0x4F000, s5  }
0x8: {  	[smem:$0x7FF] =	sst s4;
	s14 =	sadd.s32 $0xBE00, s0;
	s26 =	smul.u32 $0xC800, s5  }
0x9: {  	s8 =	sadd.s32 $0x2000, s0;
	s24 =	sshll.u32 s5, $0x1;
	s6 =	smul.u32 $0x13C000, s3  }
0xa: {  	_ =	strace $0x8000004D;
	[dreg:$0x4] =	wrdreg s8;
	s25 =	ssub.s32 $0x2, s3  }
0xb: {  	s10 =	sshrl.u32 s25, $0x1;
	s30 =	sshrl.u32 s9, $0x2;
	s6 =	sadd.s32 s7, s6  }
0xc: {  	s7 =	sor.u32 s3, s24;
	s13 =	ssub.s32 s25, s10;
	s3 =	smul.u32 $0x6400, s3  }
0xd: {  	s15 =	sadd.s32 s30, s2;
	s25 =	simm.s32 $0xD;
	s6 =	sshrl.u32 s6, $0x3  }
0xe: {  	s7 =	smul.u32 $0x6400, s7;
	s13 =	smax.u32 s13, $0x1;
	s15 =	sshrl.u32 s15, $0x3  }
.Ltmp0:
0xf: {  	s0 =	sadd.s32 s6, s0;
	s6 =	sshll.u32 s5, $0x6;
	(pc) =	sbr.rel .LBB2_1-.Ltmp0, $4  }
0x10: {  	s3 =	sadd.s32 s3, s26;
	s26 =	simm.s32 $0xA;
	s7 =	sshrl.u32 s7, $0x3  }
0x11: {  	s8 =	sor.u32 $0x1C0D, s6;
	s3 =	sadd.s32 $0x400, s3;
	s7 =	sadd.s32 s14, s7  }
0x12: {  	s12 =	sadd.s32 $0x24E00, s0;
	s31 =	sshrl.u32 s3, $0x3;
	s9 =	sadd.s32 $0x20, s7  }
0x13: {  	s10 =	sadd.s32 $0x40, s7;
	s11 =	sadd.s32 $0x60, s7;
	s14 =	sadd.s32 s31, s14  }
.LBB2_5:
0x14: {  	_ =	swait.ge [sflag:s26], $0x3200  }
0x15: {  	s29 =	sadd.s32 $0x1, s29;
	[sflag:s26] =	ssyncset.done $0x0  }
0x16: {  	p0 =	sne.s32 s29, s13;
	[sflag:s26] =	ssyncadd.s32 $0xFFFFCE00  }
.Ltmp1:
0x17: {  	s0 =	sor.u32 $0x1C0E, s6;
	[bflag:$0x0] =	sbarrier.arrive $0xFFFF;
	(pc) =	sbr.rel @!p0 .LBB2_6-.Ltmp1, $4  }
0x18: {  	[hbm:s12], [sflag:s0] =	dma.local [spmem:s15], $0x2780  }
0x19: {  	_ =	swait.ge [sflag:s28], $0x2780  }
0x1a: {  	[sflag:s28] =	ssyncset.done $0x0  }
0x1b: {  	[sflag:s28] =	ssyncadd.s32 $0xFFFFD880  }
.LBB2_1:
0x1c: {  	s0 =	rddreg [dreg:$0x4]  }
0x1d: {  	[spmem:s15], [sflag:s8] =	dma.local [hbm:s0], $0x2780  }
0x1e: {  	[tilespmem:s16], [sflag:$0x1] =	stream.linear.gather [hbm4b:s7+s4], $0x100, $0x38;
	[tilespmem:$0x1DE00] =	vst v63  }
0x1f: {  	_ = 	snop  }
0x20: {  	[tilespmem:s17], [sflag:$0x2] =	stream.linear.gather [hbm4b:s9+s4], $0x100, $0x38;
	[tilespmem:$0x1DE00] =	vst v63  }
0x21: {  	s18 =	simm.s32 $0x13E00  }
0x22: {  	[tilespmem:s18], [sflag:$0x3] =	stream.linear.gather [hbm4b:s10+s4], $0x100, $0x38;
	[tilespmem:$0x1DE00] =	vst v63  }
0x23: {  	s19 =	simm.s32 $0x13F00  }
0x24: {  	[tilespmem:s19], [sflag:$0x4] =	stream.linear.gather [hbm4b:s11+s4], $0x100, $0x38;
	[tilespmem:$0x1DE00] =	vst v63  }
0x25: {  	_ =	swait.ge [sflag:s20], $0x100  }
0x26: {  	[sflag:s20] =	ssyncset.done $0x0  }
0x27: {  	s22 =	simm.s32 $0x14200;
	[sflag:s20] =	ssyncadd.s32 $0xFFFFFF00  }
0x28: {  	[tilespmem:s22], [sflag:$0x7] =	stream.indirect.gather [hbm4b:s1+s21], $0x80, s16, s21, $0xb8;
	[tilespmem:$0x1DE00] =	vst v63  }
0x29: {  	_ =	swait.ge [sflag:s23], $0x100  }
0x2a: {  	[sflag:s23] =	ssyncset.done $0x0  }
0x2b: {  	s24 =	simm.s32 $0x17600;
	[sflag:s23] =	ssyncadd.s32 $0xFFFFFF00  }
0x2c: {  	[tilespmem:s24], [sflag:$0x8] =	stream.indirect.gather [hbm4b:s1+s21], $0x80, s17, s21, $0xb8;
	[tilespmem:$0x1DE00] =	vst v63  }
.Ltmp2:
0x2d: {  	_ =	swait.ge [sflag:s25], $0x2780;
	(pc) =	sbr.rel .LBB2_2-.Ltmp2, $4  }
0x2e: {  	[sflag:s25] =	ssyncset.done $0x0  }
0x2f: {  	[sflag:s25] =	ssyncadd.s32 $0xFFFFD880  }
0x30: {  	[bflag:$0x0] =	sbarrier.arrive $0xFFFF  }
0x31: {  	s30 =	smov.u32 s14;
	s31 =	simm.s32 $0x0  }
.LBB2_4:
0x32: {  	s31 =	sadd.s32 $0x1, s31  }
0x33: {  	p0 =	sne.s32 s31, $0x64  }
.Ltmp3:
0x34: {  	_ = 	snop;
	(pc) =	sbr.rel @!p0 .LBB2_5-.Ltmp3, $2  }
0x35: {  	_ =	sdelay $0x2  }
0x36: {  	s30 =	sadd.s32 $0x20, s30  }
.LBB2_2:
0x37: {  	s0 =	sand.u32 $0xFF, s31  }
0x38: {  	s18 =	smul.u32 $0xAB, s0;
	s0 =	sadd.s32 $0x2, s31  }
0x39: {  	s3 =	sand.u32 $0xFF, s0  }
0x3a: {  	s19 =	sshrl.u32 s18, $0x9;
	s3 =	smul.u32 $0xAB, s3  }
0x3b: {  	p0 =	seq.s32 s31, $0x0;
	s18 =	sshrl.u32 s18, $0xA;
	s19 =	smul.u32 $0x3, s19  }
0x3c: {  	p1 =	sgt.u32 @!p0 s31, $0x61;
	s18 =	smul.u32 $0x6, s18  }
0x3d: {  	p1 =	por p0, !p1;
	s22 =	sshrl.u32 s3, $0x9;
	s19 =	ssub.s32 s31, s19  }
0x3e: {  	s22 =	smul.u32 $0x3, s22;
	s18 =	ssub.s32 s31, s18;
	s19 =	sand.u32 $0xFF, s19  }
0x3f: {  	s18 =	sand.u32 $0xFF, s18;
	s24 =	smul.u32 $0xD000, s19;
	s5 =	sadd.s32 $0x7, s19  }
0x40: {  	s22 =	ssub.s32 s0, s22;
	s18 =	sshll.u32 s18, $0x8;
	_ =	swait.ge [sflag:s5], $0x3200  }
0x41: {  	s19 =	sadd.s32 $0xA, s19;
	s24 =	sshrl.u32 s24, $0x2;
	[sflag:s5] =	ssyncset.done $0x0  }
0x42: {  	s18 =	sadd.s32 $0x13C80, s18;
	s24 =	sadd.s32 $0x14200, s24;
	[sflag:s5] =	ssyncadd.s32 $0xFFFFCE00  }
0x43: {  	[spmem:s2] =	stream.indirect.scatter.add.f32 [tilespmem:s24], [sflag:s19], $0x80, s18, s21, $0xb8;
	[tilespmem:$0x1DE00] =	vst v63  }
.Ltmp4:
0x44: {  	s18 =	sand.u32 $0xFF, s22;
	(pc) =	sbr.rel @!p1 .LBB2_4-.Ltmp4, $4  }
0x45: {  	s5 =	sadd.s32 @!p0 $0xA, s18  }
0x46: {  	_ =	swait.ge @!p0 [sflag:s5], $0x3200  }
0x47: {  	[sflag:s5] =	ssyncset.done @!p0 $0x0  }
0x48: {  	[sflag:s5] =	ssyncadd.s32 @!p0 $0xFFFFCE00  }
0x49: {  	s3 =	sshrl.u32 s3, $0xA  }
0x4a: {  	s3 =	smul.u32 $0x6, s3;
	_ =	sdelay $0x1  }
0x4b: {  	s0 =	ssub.s32 s0, s3  }
0x4c: {  	p0 =	sgt.u32 s31, $0x5F;
	s0 =	sand.u32 $0xFF, s0  }
0x4d: {  	s5 =	smul.u32 $0xD000, s18;
	s19 =	sadd.s32 @!p0 $0x4, s31;
	s24 =	sadd.s32 $0x1, s0  }
0x4e: {  	s22 =	smul.u32 @!p0 $0xAB, s19;
	_ =	swait.ge [sflag:s24], $0x100  }
0x4f: {  	s0 =	sshll.u32 s0, $0x8;
	[sflag:s24] =	ssyncset.done $0x0  }
0x50: {  	[sflag:s24] =	ssyncadd.s32 $0xFFFFFF00;
	s24 =	sshrl.u32 s5, $0x2;
	s5 =	sshrl.u32 @!p0 s22, $0xA  }
0x51: {  	s0 =	sadd.s32 $0x13C00, s0;
	s5 =	sand.u32 @!p0 $0x3F, s5  }
0x52: {  	s3 =	sadd.s32 $0x14200, s24;
	s24 =	sadd.s32 $0x7, s18;
	s5 =	smul.u32 @!p0 $0x6, s5  }
0x53: {  	[tilespmem:s3], [sflag:s24] =	stream.indirect.gather [hbm4b:s1+s21], $0x80, s0, s21, $0xb8;
	[tilespmem:$0x1DE00] =	vst v63  }
.Ltmp5:
0x54: {  	s0 =	ssub.s32 @!p0 s19, s5;
	(pc) =	sbr.rel .LBB2_4-.Ltmp5, $4  }
0x55: {  	s0 =	sand.u32 @!p0 $0xFF, s0  }
0x56: {  	s3 =	sshll.u32 @!p0 s0, $0x8  }
0x57: {  	s5 =	simm.s32 @!p0 $0x0;
	s0 =	sadd.s32 @!p0 $0x1, s0;
	s3 =	sadd.s32 @!p0 $0x13C00, s3  }
0x58: {  	[tilespmem:s3], [sflag:s0] =	stream.linear.gather @!p0 [hbm4b:s30+s5], $0x100, $0x38;
	[tilespmem:$0x1DE00] =	vst v63  }
.LBB2_6:
0x59: {  	_ =	sfence.sel $0x180000  }
0x5a: {  	[bflag:$0x0] =	sbarrier.arrive $0xFFFF  }
0x5b: {  	_ =	strace $0x9000004D  }
0x5c: {  	s0 =	stileid.u32;
	[bflag:$0x2] =	sbarrier.arrive $0xFFFF  }
0x5d: {  	p0 =	sne.s32 s0, $0x0;
	s0 =	rddreg [dreg:$0x3]  }
0x5e: {  	s0 =	sadd.s32 @!p0 $0x100000, s0  }
0x5f: {  	[sflag:s0] =	ssyncadd.tile.s32 @!p0 $0x1;
	_ =	shalt  }
.Lfunc_end2:
_tile_overlayer_lowered:
.L_overlay_start_2:
0x60: {  	(tag) =	ssettag $0x2  }
0x61: {  	s0 =	rddreg [dreg:$0x0];
	s2 =	stileid.u32  }
0x62: {  	s1 =	rddreg [dreg:$0x1];
	p0 =	sne.s32 s2, $0x0  }
0x63: {  	s3 =	rddreg [dreg:$0x2];
	[bflag:$0x3] =	sbarrier.arrive $0xFFFF;
	s2 =	simm.s32 @!p0 $0x1C0E  }
0x64: {  	[timem:s3], [sflag:s2] =	dma.local @!p0 [hbm:s0], s1  }
0x65: {  	s0 =	simm.s32 @!p0 $0xE  }
0x66: {  	_ =	swait.ge @!p0 [sflag:s0], s1  }
0x67: {  	s1 =	ssub.s32 @!p0 $0x0, s1;
	[sflag:s0] =	ssyncset.done @!p0 $0x0  }
0x68: {  	[sflag:s0] =	ssyncadd.s32 @!p0 s1  }
0x69: {  	[bflag:$0x3] =	sbarrier.arrive $0xFFFF  }
0x6a: {  	_ =	shalt  }

// kernel: kernel.8.cloned.1.call-start
scs
__scs_entry_jumppad:
0x0: {  	(pc) =	sbr.rel $0x88, $3  }
0x1: {  	(tag) =	ssettag $0x0;
	lr =	simm.s32 $0x1  }
0x2: {  	[smem:$0x3F9B] =	sst lr;
	_ =	strace $0xD0000000  }
0x3: {  	_ = 	snop  }
0x4: {  	_ = 	snop  }
0x5: {  	_ = 	snop  }
0x6: {  	_ = 	snop  }
0x7: {  	_ = 	snop  }
__scs_overlays_trampoline_lowered:
0x8: {  	[smem:$0x3FAA] =	sst s0  }
0x9: {  	[smem:$0x3FAB] =	sst s1  }
0xa: {  	[smem:$0x3FAC] =	sst s2  }
0xb: {  	[smem:$0x3FAD] =	sst s3  }
0xc: {  	[smem:$0x3FAE] =	sst s4  }
0xd: {  	[smem:$0x3FAF] =	sst s5  }
0xe: {  	[smem:$0x3FB0] =	sst s6  }
0xf: {  	[smem:$0x3FB1] =	sst s7  }
0x10: {  	[smem:$0x3FB2] =	sst s8  }
0x11: {  	[smem:$0x3FB3] =	sst s9;
	s0 =	simm.s32 @!p0 $0x0  }
0x12: {  	s1 =	sld [smem:$0x3F99];
	s0 =	simm.s32 @p0 $0x1  }
0x13: {  	[smem:$0x3FB4] =	sst s0;
	s0 =	simm.s32 @!p1 $0x0  }
0x14: {  	s2 =	sld [smem:$0x3F98];
	s0 =	simm.s32 @p1 $0x1  }
0x15: {  	[smem:$0x3FB5] =	sst s0;
	s0 =	simm.s32 @!p2 $0x0  }
0x16: {  	s3 =	sld [smem:$0x3FDB];
	s0 =	simm.s32 @p2 $0x1  }
0x17: {  	s4 =	simm.s32 $0x1BF5;
	[smem:$0x3FB7] =	sst s0  }
0x18: {  	s0 =	sld [smem:$0x3F9A];
	_ =	swait.ge [sflag:s4], $0x0  }
0x19: {  	s7 =	sld [smem:$0x3F9B]  }
0x1a: {  	s8 =	sadd.s32 $0xFFFFE003, lr  }
0x1b: {  	s9 =	sadd.s32 $0xFFFFFEF7, lr;
	s5 =	simm.s32 $0xFFFFFFFF;
	p2 =	slt.u32 s8, $0xFFFFF086  }
0x1c: {  	p1 =	slt.u32 s9, $0xF7A;
	s5 =	simm.s32 @!p2 $0x0  }
0x1d: {  	s5 =	simm.s32 @p1 $0x1;
	p0 =	seq.s32 s7, s2  }
0x1e: {  	s7 =	smul.u32 @!p0 $0xF7A, s2;
	p2 =	seq.s32 @!p0 s5, $0x0  }
0x1f: {  	s9 =	smul.u32 $0xF7A, s1;
	s8 =	simm.s32 @!p0 $0x1BF5;
	p2 =	por !p2, p0  }
0x20: {  	[sflag:s8] =	ssyncset.s32 @!p0 $0xFFFFF086;
	s6 =	sadd.s32 @!p0 s3, s7;
	s7 =	simm.s32 @!p0 $0x108  }
0x21: {  	s3 =	sadd.s32 s3, s9;
	s6 =	sadd.s32 @!p0 $0x88, s6;
	s7 =	simm.s32 @p2 $0x1082  }
0x22: {  	[simem:s7], [sflag:s8] =	dma.local @!p0 [hbm:s6], $0xF7A  }
0x23: {  	s9 =	sor.u32 $0xD0000000, s2;
	s6 =	simm.s32 $0x108;
	_ =	swait.ge @!p0 [sflag:s8], $0x0  }
0x24: {  	s3 =	sadd.s32 $0x88, s3;
	s6 =	simm.s32 @!p1 $0x1082;
	[sflag:s4] =	ssyncset.s32 $0xFFFFF086  }
0x25: {  	[simem:s6], [sflag:s4] =	dma.local [hbm:s3], $0xF7A  }
0x26: {  	[smem:$0x3F9B] =	sst s1;
	(tag) =	ssettag s2;
	_ =	strace s9  }
0x27: {  	s1 =	sld [smem:$0x3FAB]  }
0x28: {  	s2 =	sld [smem:$0x3FAC]  }
0x29: {  	s4 =	sld [smem:$0x3FAE]  }
0x2a: {  	p0 =	seq.s32 s5, $0x0;
	s5 =	sld [smem:$0x3FAF]  }
0x2b: {  	s6 =	sld [smem:$0x3FB0]  }
0x2c: {  	s7 =	sld [smem:$0x3FB1]  }
0x2d: {  	s3 =	simm.s32 $0x108;
	s8 =	sld [smem:$0x3FB2]  }
0x2e: {  	s3 =	simm.s32 @!p0 $0x1082;
	s9 =	sld [smem:$0x3FB3]  }
0x2f: {  	lr =	sadd.s32 s0, s3;
	s0 =	sld [smem:$0x3FAA]  }
0x30: {  	s3 =	sld [smem:$0x3FAD]  }
0x31: {  	[smem:$0x3FB6] =	sst s10  }
0x32: {  	s10 =	sld [smem:$0x3FB4];
	_ =	sdelay $0x3  }
0x33: {  	p0 =	seq.s32 s10, $0x1;
	s10 =	sld [smem:$0x3FB6];
	_ =	sdelay $0x3  }
0x34: {  	[smem:$0x3FB6] =	sst s10  }
0x35: {  	s10 =	sld [smem:$0x3FB5];
	_ =	sdelay $0x3  }
0x36: {  	p1 =	seq.s32 s10, $0x1;
	s10 =	sld [smem:$0x3FB6];
	_ =	sdelay $0x3  }
0x37: {  	[smem:$0x3FB6] =	sst s10  }
0x38: {  	s10 =	sld [smem:$0x3FB7]  }
0x39: {  	_ = 	snop;
	(pc) =	sbr.ind lr, $3  }
0x3a: {  	_ = 	snop  }
0x3b: {  	_ = 	snop  }
0x3c: {  	p2 =	seq.s32 s10, $0x1;
	s10 =	sld [smem:$0x3FB6]  }
0x3d: {  	_ =	shalt  }
0x3e: {  	_ =	shalt  }
0x3f: {  	_ =	shalt  }
0x40: {  	_ =	shalt  }
0x41: {  	_ =	shalt  }
0x42: {  	_ =	shalt  }
0x43: {  	_ =	shalt  }
0x44: {  	_ =	shalt  }
0x45: {  	_ =	shalt  }
0x46: {  	_ =	shalt  }
0x47: {  	_ =	shalt  }
0x48: {  	_ =	shalt  }
0x49: {  	_ =	shalt  }
0x4a: {  	_ =	shalt  }
0x4b: {  	_ =	shalt  }
0x4c: {  	_ =	shalt  }
0x4d: {  	_ =	shalt  }
0x4e: {  	_ =	shalt  }
0x4f: {  	_ =	shalt  }
0x50: {  	_ =	shalt  }
0x51: {  	_ =	shalt  }
0x52: {  	_ =	shalt  }
0x53: {  	_ =	shalt  }
0x54: {  	_ =	shalt  }
0x55: {  	_ =	shalt  }
0x56: {  	_ =	shalt  }
0x57: {  	_ =	shalt  }
0x58: {  	_ =	shalt  }
0x59: {  	_ =	shalt  }
0x5a: {  	_ =	shalt  }
0x5b: {  	_ =	shalt  }
0x5c: {  	_ =	shalt  }
0x5d: {  	_ =	shalt  }
0x5e: {  	_ =	shalt  }
0x5f: {  	_ =	shalt  }
0x60: {  	_ =	shalt  }
0x61: {  	_ =	shalt  }
0x62: {  	_ =	shalt  }
0x63: {  	_ =	shalt  }
0x64: {  	_ =	shalt  }
0x65: {  	_ =	shalt  }
0x66: {  	_ =	shalt  }
0x67: {  	_ =	shalt  }
0x68: {  	_ =	shalt  }
0x69: {  	_ =	shalt  }
0x6a: {  	_ =	shalt  }
0x6b: {  	_ =	shalt  }
0x6c: {  	_ =	shalt  }
0x6d: {  	_ =	shalt  }
0x6e: {  	_ =	shalt  }
0x6f: {  	_ =	shalt  }
0x70: {  	_ =	shalt  }
0x71: {  	_ =	shalt  }
0x72: {  	_ =	shalt  }
0x73: {  	_ =	shalt  }
0x74: {  	_ =	shalt  }
0x75: {  	_ =	shalt  }
0x76: {  	_ =	shalt  }
0x77: {  	_ =	shalt  }
0x78: {  	_ =	shalt  }
0x79: {  	_ =	shalt  }
0x7a: {  	_ =	shalt  }
0x7b: {  	_ =	shalt  }
0x7c: {  	_ =	shalt  }
0x7d: {  	_ =	shalt  }
0x7e: {  	_ =	shalt  }
0x7f: {  	_ =	shalt  }
0x80: {  	_ =	shalt  }
0x81: {  	_ =	shalt  }
0x82: {  	_ =	shalt  }
0x83: {  	_ =	shalt  }
0x84: {  	_ =	shalt  }
0x85: {  	_ =	shalt  }
0x86: {  	_ =	shalt  }
0x87: {  	_ =	shalt  }
.Lfunc_end0:
.L_simem_size_0:
called_computation_lowered:
.L_overlay_start_0:
0x88: {  	s2 =	sld [smem:$0x3FD9]  }
0x89: {  	s3 =	sld [smem:$0x3FFE];
	_ =	sdelay $0x1  }
0x8a: {  	s1 =	srdreg.scid  }
0x8b: {  	s0 =	sand.u32 $0x1, s1  }
0x8c: {  	s17 =	sshll.u32 s0, $0xA;
	s2 =	sadd.s32 s3, s2  }
0x8d: {  	s2 =	sadd.s32 s2, s17  }
0x8e: {  	[smem:$0x3FC2] =	sst s2  }
0x8f: {  	_ = 	snop  }
0x90: {  	s2 =	sld [smem:$0x3FD0];
	(tm) =	ssettm $0x1  }
0x91: {  	s18 =	sld [smem:$0x3FFB];
	_ =	sdelay $0x3  }
0x92: {  	_ =	strace s18  }
0x93: {  	s3 =	sld [smem:$0x3FFC];
	_ =	sdelay $0x3  }
0x94: {  	_ =	strace s3  }
0x95: {  	s3 =	sld [smem:$0x3FFD];
	_ =	sdelay $0x3  }
0x96: {  	_ =	strace s3  }
0x97: {  	_ =	strace $0x8FFFFFFF  }
0x98: {  	s19 =	sld [smem:$0x3FDB];
	_ =	sdelay $0x1  }
0x99: {  	s4 =	simm.s32 $_scs_section_size  }
0x9a: {  	s5 =	simm.s32 $_size__tile_overlayer_lowered;
	s6 =	simm.s32 $_tile_overlayer_lowered  }
0x9b: {  	s22 =	simm.s32 $0x1BFF;
	s21 =	sshll.u32 s6, $0x1;
	s3 =	sadd.s32 s4, s19  }
0x9c: {  	s7 =	simm.s32 $0x0;
	s20 =	sshll.u32 s5, $0x1;
	s5 =	sadd.s32 s21, s3  }
0x9d: {  	[timem:s7], [sflag:s22] =	dma.local [hbm:s5], s20  }
0x9e: {  	_ =	swait.ge [sflag:s22], s20  }
0x9f: {  	s4 =	ssub.s32 $0x0, s20;
	[sflag:s22] =	ssyncset.done $0x0  }
0xa0: {  	[sflag:s22] =	ssyncadd.s32 s4;
	_ =	sdelay $0x1  }
0xa1: {  	s23 =	simm.s32 $0x1B8B  }
0xa2: {  	_ =	swait.ge [sflag:s23], $0x1  }
0xa3: {  	[sflag:s23] =	ssyncset.done $0x0  }
0xa4: {  	s25 =	simm.s32 $0x1B8E;
	s24 =	sld [smem:$0x3FFE];
	[sflag:s23] =	ssyncadd.s32 $0xFFFFFFFF  }
0xa5: {  	s26 =	simm.s32 $execute0_lowered;
	[smem:$0x3FD2] =	sst s25  }
0xa6: {  	s5 =	sshll.u32 s26, $0x1;
	_ =	strace $0x80000046;
	[dreg:$0x1] =	wrdreg $0xFFFFFFFF  }
0xa7: {  	s28 =	simm.s32 $_size_execute0_lowered;
	s3 =	sadd.s32 s3, s5;
	[dreg:$0x0] =	wrdreg $0x0  }
0xa8: {  	s5 =	sshll.u32 s28, $0x1;
	[dreg:$0x2] =	wrdreg s3  }
0xa9: {  	[dreg:$0x3] =	wrdreg s5  }
0xaa: {  	[dreg:$0x4] =	wrdreg $0xC0  }
0xab: {  	_ =	task [dreg:s7], $0x5FFFF  }
0xac: {  	[dreg:$0x1] =	wrdreg $0xFFFFFFFF  }
0xad: {  	[dreg:$0x0] =	wrdreg $0x60  }
0xae: {  	[dreg:$0x2] =	wrdreg s24  }
0xaf: {  	[dreg:$0x3] =	wrdreg s2  }
0xb0: {  	[dreg:$0x4] =	wrdreg $0x9  }
0xb1: {  	_ =	task.clear_ibuf [dreg:s7], $0x5FFFF;
	_ =	strace $0x90000046  }
0xb2: {  	s29 =	simm.s32 $0x9;
	_ =	strace $0x80000048  }
0xb3: {  	_ =	swait.ge [sflag:s29], $0x1  }
0xb4: {  	[sflag:s29] =	ssyncadd.s32 $0xFFFFFFFF  }
0xb5: {  	_ =	strace $0x90000048  }
0xb6: {  	_ =	sfence  }
0xb7: {  	s30 =	sld [smem:$0x0];
	_ =	sdelay $0x2  }
0xb8: {  	s31 =	sshll.u32 s1, $0xD;
	s1 =	sshrl.u32 s1, $0x2  }
0xb9: {  	s3 =	sand.u32 $0x4000, s31;
	s1 =	sadd.s32 s1, s30  }
0xba: {  	s0 =	sor.u32 s3, s0;
	s1 =	sshll.u32 s1, $0x11  }
0xbb: {  	s0 =	sor.u32 s1, s0  }
0xbc: {  	s0 =	sadd.s32 $0x8F2B, s0  }
0xbd: {  	[sflag:s0] =	ssyncadd.remote.s32 $0x1  }
0xbe: {  	_ =	sfence.sel $0xFFFF  }
0xbf: {  	[dreg:$0x0] =	wrdreg $0xFFFFFFFF;
	(pc) =	sbr.abs _section_cstart, $3  }
0xc0: {  	[dreg:$0x1] =	wrdreg $0xFFFFFFFF  }
0xc1: {  	_ =	task.clear_ibuf [dreg:s7], $0x2FFFF;
	_ =	strace $0x9FFFFFFF  }
0xc2: {  	(tm) =	ssettm $0x7FFFFFFF  }
0xc3: {  	_ =	shalt  }
tec
execute0_lowered:
.L_overlay_start_1:
0x0: {  	(tag) =	ssettag $0x1  }
0x1: {  	s3 =	rddreg [dreg:$0x0]  }
0x2: {  	s1 =	srdreg.scid;
	s0 =	stileid.u32  }
0x3: {  	s4 =	rddreg [dreg:$0x1];
	s5 =	sand.u32 $0x1, s1;
	s2 =	sshll.u32 s0, $0x1  }
0x4: {  	s1 =	rddreg [dreg:$0x2];
	s6 =	sor.u32 s5, s2  }
0x5: {  	s2 =	simm.s32 $0x0;
	s5 =	ssub.s32 $0x2, s5;
	s7 =	smul.u32 $0x4E2, s6  }
0x6: {  	[smem:$0x7FF] =	sst s2;
	s8 =	sshrl.u32 s5, $0x1;
	s6 =	smul.u32 $0x500, s6  }
0x7: {  	_ =	strace $0x80000047;
	s5 =	ssub.s32 s5, s8;
	s8 =	simm.s32 $0x0  }
0x8: {  	s3 =	sadd.s32 s7, s3;
	s4 =	sadd.s32 s4, s6;
	s5 =	smax.u32 s5, $0x1  }
0x9: {  	v0 =	vimm.f32 $0.0e+00;
	v1 =	vimm.f32 $1.000000000e+00;
	s6 =	simm.s32 $0x1;
	s7 =	simm.s32 $0x2780;
	s3 =	sadd.s32 $0x2000, s3  }
.LBB2_1:
0xa: {  	s9 =	simm.s32 $0x40;
	s10 =	simm.s32 $0x0  }
.LBB2_2:
0xb: {  	p0 =	sne.s32 s9, $0x9FC0;
	[tilespmem:s10+$0x2780] =	vst v0;
	s10 =	smov.u32 s9;
	s9 =	sadd.s32 $0x40, s9  }
.Ltmp0:
0xc: {  	(pc) =	sbr.rel @p0 .LBB2_2-.Ltmp0, $2  }
0xd: {  	_ =	sdelay $0x2  }
0xe: {  	s10 =	sshra.s32 s10, $0x2  }
0xf: {  	[tilespmem:s10+$0x2780] =	vst v0;
	s9 =	simm.s32 $0x0  }
0x10: {  	[tilespmem:s9], [sflag:$0x1] =	stream.linear.gather [hbm4b:s3+s9], $0x2710, $0x38;
	[tilespmem:$0x4F80] =	vst v63  }
0x11: {  	_ =	swait.ge [sflag:s6], $0x2710  }
0x12: {  	[sflag:s6] =	ssyncset.done $0x0  }
0x13: {  	s10 =	simm.s32 $0x0;
	s9 =	simm.s32 $0x40;
	[sflag:s6] =	ssyncadd.s32 $0xFFFFD8F0  }
.LBB2_4:
0x14: {  	p0 =	sne.s32 s9, $0x9C00;
	v2 =	vld [tilespmem:s10+$0x0];
	_ =	sdelay $0x3  }
.Ltmp1:
0x15: {  	(pc) =	sbr.rel @p0 .LBB2_4-.Ltmp1, $2  }
0x16: {  	_ =	sdelay $0x2  }
0x17: {  	s10 =	sshra.s32 s9, $0x2;
	s9 =	sadd.s32 $0x40, s9;
	[tilespmem:v2+s7+$0x0] =	vst.idx.add.f32.msk $0xffff, v1  }
0x18: {  	v2 =	vld [tilespmem:s10+$0x0];
	_ =	sdelay $0x5  }
0x19: {  	s8 =	sadd.s32 $0x1, s8  }
0x1a: {  	p0 =	sne.s32 s8, s5  }
.Ltmp2:
0x1b: {  	[tilespmem:v2+s7+$0x0] =	vst.idx.add.f32.msk $0xffff, v1;
	(pc) =	sbr.rel @p0 .LBB2_1-.Ltmp2, $4  }
0x1c: {  	[hbm4b:s4+s2] =	stream.linear.scatter [tilespmem:s7], [sflag:$0x1], $0x2800, $0x38;
	[tilespmem:$0x4F80] =	vst v63  }
0x1d: {  	_ =	swait.ge [sflag:s6], $0x2800  }
0x1e: {  	[sflag:s6] =	ssyncset.done $0x0  }
0x1f: {  	[sflag:s6] =	ssyncadd.s32 $0xFFFFD800  }
0x20: {  	_ =	sfence.sel $0x180000  }
0x21: {  	[bflag:$0x0] =	sbarrier.arrive $0xFFFF  }
0x22: {  	p0 =	sne.s32 s0, $0x0;
	_ =	strace $0x90000047  }
0x23: {  	s0 =	sadd.s32 @!p0 $0x100000, s1;
	[bflag:$0x2] =	sbarrier.arrive $0xFFFF  }
0x24: {  	[sflag:s0] =	ssyncadd.tile.s32 @!p0 $0x1;
	_ =	shalt  }
.Lfunc_end2:
_tile_overlayer_lowered:
.L_overlay_start_2:
0x25: {  	(tag) =	ssettag $0x2  }
0x26: {  	s0 =	rddreg [dreg:$0x0];
	s2 =	stileid.u32  }
0x27: {  	s1 =	rddreg [dreg:$0x1];
	p0 =	sne.s32 s2, $0x0  }
0x28: {  	s3 =	rddreg [dreg:$0x2];
	[bflag:$0x3] =	sbarrier.arrive $0xFFFF;
	s2 =	simm.s32 @!p0 $0x1C01  }
0x29: {  	[timem:s3], [sflag:s2] =	dma.local @!p0 [hbm:s0], s1  }
0x2a: {  	s0 =	simm.s32 @!p0 $0x1  }
0x2b: {  	_ =	swait.ge @!p0 [sflag:s0], s1  }
0x2c: {  	s1 =	ssub.s32 @!p0 $0x0, s1;
	[sflag:s0] =	ssyncset.done @!p0 $0x0  }
0x2d: {  	[sflag:s0] =	ssyncadd.s32 @!p0 s1  }
0x2e: {  	[bflag:$0x3] =	sbarrier.arrive $0xFFFF  }
0x2f: {  	_ =	shalt  }

</sc_bundles>
